<compile_context>
chip_gen: v7x
topology: tpu7x:2x2x1
jax: 0.10.2.dev20260603
libtpu: 0.0.44.dev20260713+nightly
codegen_flags: <defaults>
</compile_context>

<pallas_src>
import functools

import jax
import jax.numpy as jnp
from jax import lax
from jax.experimental import pallas as pl
from jax.experimental.pallas import tpu as pltpu
from jax.experimental.pallas import tpu_sc as plsc

B = 4
S = 4096
HIDDEN = 2048
H4 = HIDDEN // 4
K = S // 2
TILE = 1024
NTILES = (B * S) // TILE
NV = S // 16


def _mlp_body(x_ref, w1_ref, b1_ref, w2t_ref, b2_ref, scores_ref):
    x = x_ref[...]
    h = jnp.dot(x, w1_ref[...], preferred_element_type=jnp.float32) + b1_ref[...]
    g = h * (0.5 * (jax.lax.erf(h * jnp.float32(0.7071067811865476)) + 1.0))
    logits = jax.lax.dot_general(
        w2t_ref[...], g, (((1,), (1,)), ((), ())),
        preferred_element_type=jnp.float32) + b2_ref[...]
    scores_ref[...] = jax.nn.sigmoid(logits)[None]


def _lane_total(acc):
    c = acc[0]
    for t in range(1, 16):
        c = c + acc[t]
    return c


def _sc_select_body(scores_hbm, w_hbm, m_hbm, srow, wrow, mrow):
    cid = lax.axis_index("c")
    sid = lax.axis_index("s")
    wid = sid * 2 + cid

    @pl.when(wid < B)
    def _():
        row = wid
        pltpu.sync_copy(scores_hbm.at[pl.ds(row * S, S)], srow)

        def keyvec(j):
            return lax.bitcast_convert_type(srow[pl.ds(j * 16, 16)], jnp.int32)

        def count_ge_shifted(shift, qtop):
            def body(j, acc):
                m = (keyvec(j) >> shift) >= qtop
                return acc + jnp.where(m, 1, 0)

            acc = lax.fori_loop(0, NV, body, jnp.zeros((16,), jnp.int32),
                                unroll=8)
            return _lane_total(acc)

        def step(it, p):
            b = 30 - it
            q = p | (jnp.int32(1) << b)
            c = count_ge_shifted(b, q >> b)
            return jnp.where(c >= K, q, p)

        p = lax.fori_loop(0, 31, step, jnp.int32(0))

        def gt_eq_body(j, acc):
            kv = keyvec(j)
            return (acc[0] + jnp.where(kv > p, 1, 0),
                    acc[1] + jnp.where(kv == p, 1, 0))

        acc0 = (jnp.zeros((16,), jnp.int32), jnp.zeros((16,), jnp.int32))
        accg, acce = lax.fori_loop(0, NV, gt_eq_body, acc0, unroll=8)
        n_gt = _lane_total(accg)
        n_eq = _lane_total(acce)
        need = K - n_gt

        def tie_descent():
            def step2(it, plo):
                b = 11 - it
                q = plo | (jnp.int32(1) << b)

                def body(j, acc):
                    kv = keyvec(j)
                    lov = (S - 1 - j * 16) - lax.iota(jnp.int32, 16)
                    m = (kv == p) & ((lov >> b) >= (q >> b))
                    return acc + jnp.where(m, 1, 0)

                c = _lane_total(lax.fori_loop(
                    0, NV, body, jnp.zeros((16,), jnp.int32), unroll=8))
                return jnp.where(c >= need, q, plo)

            return lax.fori_loop(0, 12, step2, jnp.int32(0))

        plo = lax.cond(n_eq == need, lambda: jnp.int32(0), tie_descent)

        def out_body(j, carry):
            kv = keyvec(j)
            lov = (S - 1 - j * 16) - lax.iota(jnp.int32, 16)
            m = (kv > p) | ((kv == p) & (lov >= plo))
            sl = pl.ds(j * 16, 16)
            mrow[sl] = jnp.where(m, 1, 0)
            wrow[sl] = jnp.where(m, srow[sl], 0.0)
            return carry

        lax.fori_loop(0, NV, out_body, jnp.int32(0), unroll=8)

        pltpu.sync_copy(wrow, w_hbm.at[pl.ds(row * S, S)])
        pltpu.sync_copy(mrow, m_hbm.at[pl.ds(row * S, S)])


_sc_select = functools.partial(
    pl.kernel,
    out_type=(
        jax.ShapeDtypeStruct((B * S,), jnp.float32),
        jax.ShapeDtypeStruct((B * S,), jnp.int32),
    ),
    mesh=plsc.VectorSubcoreMesh(core_axis_name="c", subcore_axis_name="s"),
    scratch_types=[
        pltpu.VMEM((S,), jnp.float32),
        pltpu.VMEM((S,), jnp.float32),
        pltpu.VMEM((S,), jnp.int32),
    ],
)(_sc_select_body)


@jax.jit
def kernel(hidden_states, W1, b1, W2, b2):
    x = hidden_states.reshape(B * S, HIDDEN)
    scores = pl.pallas_call(
        _mlp_body,
        grid=(NTILES,),
        in_specs=[
            pl.BlockSpec((TILE, HIDDEN), lambda i: (i, 0)),
            pl.BlockSpec((HIDDEN, H4), lambda i: (0, 0)),
            pl.BlockSpec((1, H4), lambda i: (0, 0)),
            pl.BlockSpec((1, H4), lambda i: (0, 0)),
            pl.BlockSpec((1, 1), lambda i: (0, 0)),
        ],
        out_specs=pl.BlockSpec((1, 1, TILE), lambda i: (i, 0, 0)),
        out_shape=jax.ShapeDtypeStruct((NTILES, 1, TILE), jnp.float32),
        compiler_params=pltpu.CompilerParams(
            dimension_semantics=("arbitrary",)),
    )(x, W1, b1.reshape(1, H4), W2.reshape(1, H4), b2.reshape(1, 1))

    weights, mask = _sc_select(scores.reshape(B * S))
    return weights.reshape(B, S), mask.reshape(B, S).astype(jnp.bool_)

# --- scband reference (transcript-rebuilt; emitter-appended) ---
"""Pipeline reference for scband-expert-choice-router-31258771980475 (READ-ONLY COPY).

The authoritative reference and input builder live on the scoring server;
editing this copy changes nothing except your own understanding.
"""

import jax, jax.numpy as jnp
import numpy as np

B = 4
S = 4096
HIDDEN = 2048
H4 = HIDDEN // 4
ROUTER_ALPHA = 1.0
CAPACITY = 0.5


def setup_inputs(seed: int = 0) -> dict:
    key = jax.random.key(seed)
    k1, k2, k3 = jax.random.split(key, 3)
    hidden_states = jax.random.normal(k1, (B, S, HIDDEN), dtype=jnp.float32)
    # router = Linear(hidden, hidden//4) -> GELU -> Linear(hidden//4, 1)
    W1 = jax.random.normal(k2, (HIDDEN, H4), dtype=jnp.float32) * (1.0 / np.sqrt(HIDDEN))
    b1 = jnp.zeros((H4,), dtype=jnp.float32)
    W2 = jax.random.normal(k3, (H4, 1), dtype=jnp.float32) * (1.0 / np.sqrt(H4))
    b2 = jnp.zeros((1,), dtype=jnp.float32)
    return {"hidden_states": hidden_states, "W1": W1, "b1": b1, "W2": W2, "b2": b2}


def reference(hidden_states, W1, b1, W2, b2):
    # router MLP: Linear -> GELU (exact, matches torch nn.GELU default) -> Linear
    h = jax.nn.gelu(hidden_states @ W1 + b1, approximate=False)
    router_logits = (h @ W2 + b2)[..., 0]  # [B, S]
    scaled_logits = router_logits * ROUTER_ALPHA
    router_scores = jax.nn.sigmoid(scaled_logits)  # activation == 'sigmoid'

    # no active_mask -> all tokens active; num_active = S for every batch row
    # k_per_batch = capacity * num_active (same k for every row)
    k = int(CAPACITY * S)
    k = max(1, min(k, S))

    # expert-choice top-k selection per batch row
    _, top_indices = jax.lax.top_k(router_scores, k)  # [B, k]
    selected_mask = jnp.zeros((B, S), dtype=bool)
    selected_mask = selected_mask.at[jnp.arange(B)[:, None], top_indices].set(True)

    router_weights = router_scores * selected_mask.astype(router_scores.dtype)
    # eval path (not training): aux_loss is None; return the two tensor outputs
    return (router_weights, selected_mask)

if __name__ == "__main__":
    import jax
    _d = setup_inputs()
    print(jax.jit(kernel)(*tuple(_d.values())))

</pallas_src>

<mosaic_0001>
#map = affine_map<(d0, d1) -> (0)>
module attributes {stable_mosaic.version = 14 : i64} {
  func.func @_sc_select_body(%arg0: i32, %arg1: i32, %arg2: memref<16384xf32, #tpu.memory_space<hbm>>, %arg3: memref<16384xf32, #tpu.memory_space<hbm>>, %arg4: memref<16384xi32, #tpu.memory_space<hbm>>, %arg5: memref<4096xf32, #tpu.memory_space<vmem>>, %arg6: memref<4096xf32, #tpu.memory_space<vmem>>, %arg7: memref<4096xi32, #tpu.memory_space<vmem>>) attributes {dimension_semantics = [#tpu.dimension_semantics<core_parallel>, #tpu.dimension_semantics<subcore_parallel>], iteration_bounds = array<i64: 2, 16>, scalar_prefetch = 0 : i64, scratch_operands = 3 : i64, tpu.core_type = #tpu.core_type<sc_vector_subcore>, window_params = [{transform_indices = #map}, {transform_indices = #map}, {transform_indices = #map}]} {
    %mul3A = arith.constant 2 : i32
    %mul3A_0 = arith.muli %arg1, %mul3A : i32
    %add3A = arith.addi %mul3A_0, %arg0 : i32
    %lt3A = arith.constant 4 : i32
    %lt3A_1 = arith.cmpi slt, %add3A, %lt3A : i32
    %convert_element_type3A = arith.extui %lt3A_1 : i1 to i32
    %cond3A = arith.constant 0 : i32
    %cond3A_2 = arith.cmpi ne, %convert_element_type3A, %cond3A : i32
    scf.if %cond3A_2 {
      %mul3A_3 = arith.constant 4096 : i32
      %mul3A_4 = arith.muli %add3A, %mul3A_3 : i32
      "tpu.region"() ({
        %run_scoped3A = tpu.sem_alloc : memref<!tpu.dma_semaphore, #tpu.memory_space<semaphore_mem>>
        %dma_start3A = tpu.memref_slice %arg2[%mul3A_4] : memref<16384xf32, #tpu.memory_space<hbm>> -> memref<4096xf32, #tpu.memory_space<hbm>>
        %dma_start3A_127 = tpu.memref_slice %arg2[%mul3A_4] : memref<16384xf32, #tpu.memory_space<hbm>> -> memref<4096xf32, #tpu.memory_space<hbm>>
        tpu.enqueue_dma source(%dma_start3A_127 : memref<4096xf32, #tpu.memory_space<hbm>>) target(%arg5 : memref<4096xf32, #tpu.memory_space<vmem>>) target_semaphore(%run_scoped3A : memref<!tpu.dma_semaphore, #tpu.memory_space<semaphore_mem>>)
        %dma_wait3A = tpu.memref_slice %arg2[%mul3A_4] : memref<16384xf32, #tpu.memory_space<hbm>> -> memref<4096xf32, #tpu.memory_space<hbm>>
        %dma_wait3A_128 = tpu.memref_slice %arg2[%mul3A_4] : memref<16384xf32, #tpu.memory_space<hbm>> -> memref<4096xf32, #tpu.memory_space<hbm>>
        tpu.wait_dma2 semaphore(%run_scoped3A : memref<!tpu.dma_semaphore, #tpu.memory_space<semaphore_mem>>) src(%dma_wait3A_128 : memref<4096xf32, #tpu.memory_space<hbm>>) dst(%arg5 : memref<4096xf32, #tpu.memory_space<vmem>>)
        tpu.yield
      }) : () -> ()
      %scan3A = arith.constant 0 : i32
      %scan3A_5 = arith.constant 0 : i32
      %scan3A_6 = arith.constant 31 : i32
      %scan3A_7 = arith.addi %scan3A_5, %scan3A_6 : i32
      %scan3A_8 = arith.constant 1 : i32
      %scan3A_9 = scf.for %scan3A_127 = %scan3A_5 to %scan3A_7 step %scan3A_8 iter_args(%scan3A_128 = %scan3A) -> (i32)  : i32 {
        %sub3A_129 = arith.constant 30 : i32
        %sub3A_130 = arith.subi %sub3A_129, %scan3A_127 : i32
        %shift_left3A = arith.constant 1 : i32
        %shift_left3A_131 = arith.shli %shift_left3A, %sub3A_130 : i32
        %or3A = arith.ori %scan3A_128, %shift_left3A_131 : i32
        %shift_right_arithmetic3A = arith.shrsi %or3A, %sub3A_130 : i32
        %broadcast_in_dim3A_132 = arith.constant 0 : i32
        %broadcast_in_dim3A_133 = vector.broadcast %broadcast_in_dim3A_132 : i32 to vector<16xi32>
        %scan3A_134 = arith.constant 0 : i32
        %scan3A_135 = arith.constant 256 : i32
        %scan3A_136 = arith.addi %scan3A_134, %scan3A_135 : i32
        %scan3A_137 = arith.constant 8 : i32
        %scan3A_138 = scf.for %scan3A_188 = %scan3A_134 to %scan3A_136 step %scan3A_137 iter_args(%scan3A_189 = %broadcast_in_dim3A_133) -> (vector<16xi32>)  : i32 {
          %mul3A_190 = arith.constant 16 : i32
          %mul3A_191 = arith.muli %scan3A_188, %mul3A_190 : i32
          %get3A = arith.index_cast %mul3A_191 : i32 to index
          %get3A_192 = tpu.vector_load %arg5[%get3A] {strides = array<i32>} : memref<4096xf32, #tpu.memory_space<vmem>>, vector<16xf32>,
          %get3A_193 = vector.shape_cast %get3A_192 : vector<16xf32> to vector<16xf32>
          %bitcast_convert_type3A = tpu.bitcast %get3A_193 : vector<16xf32> -> vector<16xi32>
          %shift_right_arithmetic3A_194 = vector.broadcast %sub3A_130 : i32 to vector<16xi32>
          %shift_right_arithmetic3A_195 = arith.shrsi %bitcast_convert_type3A, %shift_right_arithmetic3A_194 : vector<16xi32>
          %ge3A_196 = vector.broadcast %shift_right_arithmetic3A : i32 to vector<16xi32>
          %ge3A_197 = arith.cmpi sge, %shift_right_arithmetic3A_195, %ge3A_196 : vector<16xi32>
          %jit3A = arith.constant 1 : i32
          %jit3A_198 = arith.constant 0 : i32
          %broadcast_in_dim3A_199 = vector.broadcast %jit3A : i32 to vector<16xi32>
          %broadcast_in_dim3A_200 = vector.broadcast %jit3A_198 : i32 to vector<16xi32>
          %select_n3A_201 = arith.select %ge3A_197, %broadcast_in_dim3A_199, %broadcast_in_dim3A_200 : vector<16xi1>, vector<16xi32>
          %add3A_202 = arith.addi %scan3A_189, %select_n3A_201 : vector<16xi32>
          %scan3A_203 = arith.constant 1 : i32
          %scan3A_204 = arith.addi %scan3A_188, %scan3A_203 : i32
          %mul3A_205 = arith.constant 16 : i32
          %mul3A_206 = arith.muli %scan3A_204, %mul3A_205 : i32
          %get3A_207 = arith.index_cast %mul3A_206 : i32 to index
          %get3A_208 = tpu.vector_load %arg5[%get3A_207] {strides = array<i32>} : memref<4096xf32, #tpu.memory_space<vmem>>, vector<16xf32>,
          %get3A_209 = vector.shape_cast %get3A_208 : vector<16xf32> to vector<16xf32>
          %bitcast_convert_type3A_210 = tpu.bitcast %get3A_209 : vector<16xf32> -> vector<16xi32>
          %shift_right_arithmetic3A_211 = vector.broadcast %sub3A_130 : i32 to vector<16xi32>
          %shift_right_arithmetic3A_212 = arith.shrsi %bitcast_convert_type3A_210, %shift_right_arithmetic3A_211 : vector<16xi32>
          %ge3A_213 = vector.broadcast %shift_right_arithmetic3A : i32 to vector<16xi32>
          %ge3A_214 = arith.cmpi sge, %shift_right_arithmetic3A_212, %ge3A_213 : vector<16xi32>
          %jit3A_215 = arith.constant 1 : i32
          %jit3A_216 = arith.constant 0 : i32
          %broadcast_in_dim3A_217 = vector.broadcast %jit3A_215 : i32 to vector<16xi32>
          %broadcast_in_dim3A_218 = vector.broadcast %jit3A_216 : i32 to vector<16xi32>
          %select_n3A_219 = arith.select %ge3A_214, %broadcast_in_dim3A_217, %broadcast_in_dim3A_218 : vector<16xi1>, vector<16xi32>
          %add3A_220 = arith.addi %add3A_202, %select_n3A_219 : vector<16xi32>
          %scan3A_221 = arith.constant 2 : i32
          %scan3A_222 = arith.addi %scan3A_188, %scan3A_221 : i32
          %mul3A_223 = arith.constant 16 : i32
          %mul3A_224 = arith.muli %scan3A_222, %mul3A_223 : i32
          %get3A_225 = arith.index_cast %mul3A_224 : i32 to index
          %get3A_226 = tpu.vector_load %arg5[%get3A_225] {strides = array<i32>} : memref<4096xf32, #tpu.memory_space<vmem>>, vector<16xf32>,
          %get3A_227 = vector.shape_cast %get3A_226 : vector<16xf32> to vector<16xf32>
          %bitcast_convert_type3A_228 = tpu.bitcast %get3A_227 : vector<16xf32> -> vector<16xi32>
          %shift_right_arithmetic3A_229 = vector.broadcast %sub3A_130 : i32 to vector<16xi32>
          %shift_right_arithmetic3A_230 = arith.shrsi %bitcast_convert_type3A_228, %shift_right_arithmetic3A_229 : vector<16xi32>
          %ge3A_231 = vector.broadcast %shift_right_arithmetic3A : i32 to vector<16xi32>
          %ge3A_232 = arith.cmpi sge, %shift_right_arithmetic3A_230, %ge3A_231 : vector<16xi32>
          %jit3A_233 = arith.constant 1 : i32
          %jit3A_234 = arith.constant 0 : i32
          %broadcast_in_dim3A_235 = vector.broadcast %jit3A_233 : i32 to vector<16xi32>
          %broadcast_in_dim3A_236 = vector.broadcast %jit3A_234 : i32 to vector<16xi32>
          %select_n3A_237 = arith.select %ge3A_232, %broadcast_in_dim3A_235, %broadcast_in_dim3A_236 : vector<16xi1>, vector<16xi32>
          %add3A_238 = arith.addi %add3A_220, %select_n3A_237 : vector<16xi32>
          %scan3A_239 = arith.constant 3 : i32
          %scan3A_240 = arith.addi %scan3A_188, %scan3A_239 : i32
          %mul3A_241 = arith.constant 16 : i32
          %mul3A_242 = arith.muli %scan3A_240, %mul3A_241 : i32
          %get3A_243 = arith.index_cast %mul3A_242 : i32 to index
          %get3A_244 = tpu.vector_load %arg5[%get3A_243] {strides = array<i32>} : memref<4096xf32, #tpu.memory_space<vmem>>, vector<16xf32>,
          %get3A_245 = vector.shape_cast %get3A_244 : vector<16xf32> to vector<16xf32>
          %bitcast_convert_type3A_246 = tpu.bitcast %get3A_245 : vector<16xf32> -> vector<16xi32>
          %shift_right_arithmetic3A_247 = vector.broadcast %sub3A_130 : i32 to vector<16xi32>
          %shift_right_arithmetic3A_248 = arith.shrsi %bitcast_convert_type3A_246, %shift_right_arithmetic3A_247 : vector<16xi32>
          %ge3A_249 = vector.broadcast %shift_right_arithmetic3A : i32 to vector<16xi32>
          %ge3A_250 = arith.cmpi sge, %shift_right_arithmetic3A_248, %ge3A_249 : vector<16xi32>
          %jit3A_251 = arith.constant 1 : i32
          %jit3A_252 = arith.constant 0 : i32
          %broadcast_in_dim3A_253 = vector.broadcast %jit3A_251 : i32 to vector<16xi32>
          %broadcast_in_dim3A_254 = vector.broadcast %jit3A_252 : i32 to vector<16xi32>
          %select_n3A_255 = arith.select %ge3A_250, %broadcast_in_dim3A_253, %broadcast_in_dim3A_254 : vector<16xi1>, vector<16xi32>
          %add3A_256 = arith.addi %add3A_238, %select_n3A_255 : vector<16xi32>
          %scan3A_257 = arith.constant 4 : i32
          %scan3A_258 = arith.addi %scan3A_188, %scan3A_257 : i32
          %mul3A_259 = arith.constant 16 : i32
          %mul3A_260 = arith.muli %scan3A_258, %mul3A_259 : i32
          %get3A_261 = arith.index_cast %mul3A_260 : i32 to index
          %get3A_262 = tpu.vector_load %arg5[%get3A_261] {strides = array<i32>} : memref<4096xf32, #tpu.memory_space<vmem>>, vector<16xf32>,
          %get3A_263 = vector.shape_cast %get3A_262 : vector<16xf32> to vector<16xf32>
          %bitcast_convert_type3A_264 = tpu.bitcast %get3A_263 : vector<16xf32> -> vector<16xi32>
          %shift_right_arithmetic3A_265 = vector.broadcast %sub3A_130 : i32 to vector<16xi32>
          %shift_right_arithmetic3A_266 = arith.shrsi %bitcast_convert_type3A_264, %shift_right_arithmetic3A_265 : vector<16xi32>
          %ge3A_267 = vector.broadcast %shift_right_arithmetic3A : i32 to vector<16xi32>
          %ge3A_268 = arith.cmpi sge, %shift_right_arithmetic3A_266, %ge3A_267 : vector<16xi32>
          %jit3A_269 = arith.constant 1 : i32
          %jit3A_270 = arith.constant 0 : i32
          %broadcast_in_dim3A_271 = vector.broadcast %jit3A_269 : i32 to vector<16xi32>
          %broadcast_in_dim3A_272 = vector.broadcast %jit3A_270 : i32 to vector<16xi32>
          %select_n3A_273 = arith.select %ge3A_268, %broadcast_in_dim3A_271, %broadcast_in_dim3A_272 : vector<16xi1>, vector<16xi32>
          %add3A_274 = arith.addi %add3A_256, %select_n3A_273 : vector<16xi32>
          %scan3A_275 = arith.constant 5 : i32
          %scan3A_276 = arith.addi %scan3A_188, %scan3A_275 : i32
          %mul3A_277 = arith.constant 16 : i32
          %mul3A_278 = arith.muli %scan3A_276, %mul3A_277 : i32
          %get3A_279 = arith.index_cast %mul3A_278 : i32 to index
          %get3A_280 = tpu.vector_load %arg5[%get3A_279] {strides = array<i32>} : memref<4096xf32, #tpu.memory_space<vmem>>, vector<16xf32>,
          %get3A_281 = vector.shape_cast %get3A_280 : vector<16xf32> to vector<16xf32>
          %bitcast_convert_type3A_282 = tpu.bitcast %get3A_281 : vector<16xf32> -> vector<16xi32>
          %shift_right_arithmetic3A_283 = vector.broadcast %sub3A_130 : i32 to vector<16xi32>
          %shift_right_arithmetic3A_284 = arith.shrsi %bitcast_convert_type3A_282, %shift_right_arithmetic3A_283 : vector<16xi32>
          %ge3A_285 = vector.broadcast %shift_right_arithmetic3A : i32 to vector<16xi32>
          %ge3A_286 = arith.cmpi sge, %shift_right_arithmetic3A_284, %ge3A_285 : vector<16xi32>
          %jit3A_287 = arith.constant 1 : i32
          %jit3A_288 = arith.constant 0 : i32
          %broadcast_in_dim3A_289 = vector.broadcast %jit3A_287 : i32 to vector<16xi32>
          %broadcast_in_dim3A_290 = vector.broadcast %jit3A_288 : i32 to vector<16xi32>
          %select_n3A_291 = arith.select %ge3A_286, %broadcast_in_dim3A_289, %broadcast_in_dim3A_290 : vector<16xi1>, vector<16xi32>
          %add3A_292 = arith.addi %add3A_274, %select_n3A_291 : vector<16xi32>
          %scan3A_293 = arith.constant 6 : i32
          %scan3A_294 = arith.addi %scan3A_188, %scan3A_293 : i32
          %mul3A_295 = arith.constant 16 : i32
          %mul3A_296 = arith.muli %scan3A_294, %mul3A_295 : i32
          %get3A_297 = arith.index_cast %mul3A_296 : i32 to index
          %get3A_298 = tpu.vector_load %arg5[%get3A_297] {strides = array<i32>} : memref<4096xf32, #tpu.memory_space<vmem>>, vector<16xf32>,
          %get3A_299 = vector.shape_cast %get3A_298 : vector<16xf32> to vector<16xf32>
          %bitcast_convert_type3A_300 = tpu.bitcast %get3A_299 : vector<16xf32> -> vector<16xi32>
          %shift_right_arithmetic3A_301 = vector.broadcast %sub3A_130 : i32 to vector<16xi32>
          %shift_right_arithmetic3A_302 = arith.shrsi %bitcast_convert_type3A_300, %shift_right_arithmetic3A_301 : vector<16xi32>
          %ge3A_303 = vector.broadcast %shift_right_arithmetic3A : i32 to vector<16xi32>
          %ge3A_304 = arith.cmpi sge, %shift_right_arithmetic3A_302, %ge3A_303 : vector<16xi32>
          %jit3A_305 = arith.constant 1 : i32
          %jit3A_306 = arith.constant 0 : i32
          %broadcast_in_dim3A_307 = vector.broadcast %jit3A_305 : i32 to vector<16xi32>
          %broadcast_in_dim3A_308 = vector.broadcast %jit3A_306 : i32 to vector<16xi32>
          %select_n3A_309 = arith.select %ge3A_304, %broadcast_in_dim3A_307, %broadcast_in_dim3A_308 : vector<16xi1>, vector<16xi32>
          %add3A_310 = arith.addi %add3A_292, %select_n3A_309 : vector<16xi32>
          %scan3A_311 = arith.constant 7 : i32
          %scan3A_312 = arith.addi %scan3A_188, %scan3A_311 : i32
          %mul3A_313 = arith.constant 16 : i32
          %mul3A_314 = arith.muli %scan3A_312, %mul3A_313 : i32
          %get3A_315 = arith.index_cast %mul3A_314 : i32 to index
          %get3A_316 = tpu.vector_load %arg5[%get3A_315] {strides = array<i32>} : memref<4096xf32, #tpu.memory_space<vmem>>, vector<16xf32>,
          %get3A_317 = vector.shape_cast %get3A_316 : vector<16xf32> to vector<16xf32>
          %bitcast_convert_type3A_318 = tpu.bitcast %get3A_317 : vector<16xf32> -> vector<16xi32>
          %shift_right_arithmetic3A_319 = vector.broadcast %sub3A_130 : i32 to vector<16xi32>
          %shift_right_arithmetic3A_320 = arith.shrsi %bitcast_convert_type3A_318, %shift_right_arithmetic3A_319 : vector<16xi32>
          %ge3A_321 = vector.broadcast %shift_right_arithmetic3A : i32 to vector<16xi32>
          %ge3A_322 = arith.cmpi sge, %shift_right_arithmetic3A_320, %ge3A_321 : vector<16xi32>
          %jit3A_323 = arith.constant 1 : i32
          %jit3A_324 = arith.constant 0 : i32
          %broadcast_in_dim3A_325 = vector.broadcast %jit3A_323 : i32 to vector<16xi32>
          %broadcast_in_dim3A_326 = vector.broadcast %jit3A_324 : i32 to vector<16xi32>
          %select_n3A_327 = arith.select %ge3A_322, %broadcast_in_dim3A_325, %broadcast_in_dim3A_326 : vector<16xi1>, vector<16xi32>
          %add3A_328 = arith.addi %add3A_310, %select_n3A_327 : vector<16xi32>
          scf.yield %add3A_328 : vector<16xi32>
        }
        %scan3A_139 = arith.constant 256 : i32
        %slice3A_140 = vector.extract_strided_slice %scan3A_138 {offsets = [0], sizes = [1], strides = [1]} : vector<16xi32> to vector<1xi32>
        %squeeze3A_141 = vector.extract %slice3A_140[0] : i32 from vector<1xi32>
        %slice3A_142 = vector.extract_strided_slice %scan3A_138 {offsets = [1], sizes = [1], strides = [1]} : vector<16xi32> to vector<1xi32>
        %squeeze3A_143 = vector.extract %slice3A_142[0] : i32 from vector<1xi32>
        %add3A_144 = arith.addi %squeeze3A_141, %squeeze3A_143 : i32
        %slice3A_145 = vector.extract_strided_slice %scan3A_138 {offsets = [2], sizes = [1], strides = [1]} : vector<16xi32> to vector<1xi32>
        %squeeze3A_146 = vector.extract %slice3A_145[0] : i32 from vector<1xi32>
        %add3A_147 = arith.addi %add3A_144, %squeeze3A_146 : i32
        %slice3A_148 = vector.extract_strided_slice %scan3A_138 {offsets = [3], sizes = [1], strides = [1]} : vector<16xi32> to vector<1xi32>
        %squeeze3A_149 = vector.extract %slice3A_148[0] : i32 from vector<1xi32>
        %add3A_150 = arith.addi %add3A_147, %squeeze3A_149 : i32
        %slice3A_151 = vector.extract_strided_slice %scan3A_138 {offsets = [4], sizes = [1], strides = [1]} : vector<16xi32> to vector<1xi32>
        %squeeze3A_152 = vector.extract %slice3A_151[0] : i32 from vector<1xi32>
        %add3A_153 = arith.addi %add3A_150, %squeeze3A_152 : i32
        %slice3A_154 = vector.extract_strided_slice %scan3A_138 {offsets = [5], sizes = [1], strides = [1]} : vector<16xi32> to vector<1xi32>
        %squeeze3A_155 = vector.extract %slice3A_154[0] : i32 from vector<1xi32>
        %add3A_156 = arith.addi %add3A_153, %squeeze3A_155 : i32
        %slice3A_157 = vector.extract_strided_slice %scan3A_138 {offsets = [6], sizes = [1], strides = [1]} : vector<16xi32> to vector<1xi32>
        %squeeze3A_158 = vector.extract %slice3A_157[0] : i32 from vector<1xi32>
        %add3A_159 = arith.addi %add3A_156, %squeeze3A_158 : i32
        %slice3A_160 = vector.extract_strided_slice %scan3A_138 {offsets = [7], sizes = [1], strides = [1]} : vector<16xi32> to vector<1xi32>
        %squeeze3A_161 = vector.extract %slice3A_160[0] : i32 from vector<1xi32>
        %add3A_162 = arith.addi %add3A_159, %squeeze3A_161 : i32
        %slice3A_163 = vector.extract_strided_slice %scan3A_138 {offsets = [8], sizes = [1], strides = [1]} : vector<16xi32> to vector<1xi32>
        %squeeze3A_164 = vector.extract %slice3A_163[0] : i32 from vector<1xi32>
        %add3A_165 = arith.addi %add3A_162, %squeeze3A_164 : i32
        %slice3A_166 = vector.extract_strided_slice %scan3A_138 {offsets = [9], sizes = [1], strides = [1]} : vector<16xi32> to vector<1xi32>
        %squeeze3A_167 = vector.extract %slice3A_166[0] : i32 from vector<1xi32>
        %add3A_168 = arith.addi %add3A_165, %squeeze3A_167 : i32
        %slice3A_169 = vector.extract_strided_slice %scan3A_138 {offsets = [10], sizes = [1], strides = [1]} : vector<16xi32> to vector<1xi32>
        %squeeze3A_170 = vector.extract %slice3A_169[0] : i32 from vector<1xi32>
        %add3A_171 = arith.addi %add3A_168, %squeeze3A_170 : i32
        %slice3A_172 = vector.extract_strided_slice %scan3A_138 {offsets = [11], sizes = [1], strides = [1]} : vector<16xi32> to vector<1xi32>
        %squeeze3A_173 = vector.extract %slice3A_172[0] : i32 from vector<1xi32>
        %add3A_174 = arith.addi %add3A_171, %squeeze3A_173 : i32
        %slice3A_175 = vector.extract_strided_slice %scan3A_138 {offsets = [12], sizes = [1], strides = [1]} : vector<16xi32> to vector<1xi32>
        %squeeze3A_176 = vector.extract %slice3A_175[0] : i32 from vector<1xi32>
        %add3A_177 = arith.addi %add3A_174, %squeeze3A_176 : i32
        %slice3A_178 = vector.extract_strided_slice %scan3A_138 {offsets = [13], sizes = [1], strides = [1]} : vector<16xi32> to vector<1xi32>
        %squeeze3A_179 = vector.extract %slice3A_178[0] : i32 from vector<1xi32>
        %add3A_180 = arith.addi %add3A_177, %squeeze3A_179 : i32
        %slice3A_181 = vector.extract_strided_slice %scan3A_138 {offsets = [14], sizes = [1], strides = [1]} : vector<16xi32> to vector<1xi32>
        %squeeze3A_182 = vector.extract %slice3A_181[0] : i32 from vector<1xi32>
        %add3A_183 = arith.addi %add3A_180, %squeeze3A_182 : i32
        %slice3A_184 = vector.extract_strided_slice %scan3A_138 {offsets = [15], sizes = [1], strides = [1]} : vector<16xi32> to vector<1xi32>
        %squeeze3A_185 = vector.extract %slice3A_184[0] : i32 from vector<1xi32>
        %add3A_186 = arith.addi %add3A_183, %squeeze3A_185 : i32
        %ge3A = arith.constant 2048 : i32
        %ge3A_187 = arith.cmpi sge, %add3A_186, %ge3A : i32
        %select_n3A = arith.select %ge3A_187, %or3A, %scan3A_128 : i32
        scf.yield %select_n3A : i32
      }
      %scan3A_10 = arith.constant 31 : i32
      %broadcast_in_dim3A = arith.constant 0 : i32
      %broadcast_in_dim3A_11 = vector.broadcast %broadcast_in_dim3A : i32 to vector<16xi32>
      %broadcast_in_dim3A_12 = arith.constant 0 : i32
      %broadcast_in_dim3A_13 = vector.broadcast %broadcast_in_dim3A_12 : i32 to vector<16xi32>
      %scan3A_14 = arith.constant 0 : i32
      %scan3A_15 = arith.constant 256 : i32
      %scan3A_16 = arith.addi %scan3A_14, %scan3A_15 : i32
      %scan3A_17 = arith.constant 8 : i32
      %scan3A_18:2 = scf.for %scan3A_127 = %scan3A_14 to %scan3A_16 step %scan3A_17 iter_args(%scan3A_128 = %broadcast_in_dim3A_11, %scan3A_129 = %broadcast_in_dim3A_13) -> (vector<16xi32>, vector<16xi32>)  : i32 {
        %mul3A_130 = arith.constant 16 : i32
        %mul3A_131 = arith.muli %scan3A_127, %mul3A_130 : i32
        %get3A = arith.index_cast %mul3A_131 : i32 to index
        %get3A_132 = tpu.vector_load %arg5[%get3A] {strides = array<i32>} : memref<4096xf32, #tpu.memory_space<vmem>>, vector<16xf32>,
        %get3A_133 = vector.shape_cast %get3A_132 : vector<16xf32> to vector<16xf32>
        %bitcast_convert_type3A = tpu.bitcast %get3A_133 : vector<16xf32> -> vector<16xi32>
        %gt3A = vector.broadcast %scan3A_9 : i32 to vector<16xi32>
        %gt3A_134 = arith.cmpi sgt, %bitcast_convert_type3A, %gt3A : vector<16xi32>
        %jit3A = arith.constant 1 : i32
        %jit3A_135 = arith.constant 0 : i32
        %broadcast_in_dim3A_136 = vector.broadcast %jit3A : i32 to vector<16xi32>
        %broadcast_in_dim3A_137 = vector.broadcast %jit3A_135 : i32 to vector<16xi32>
        %select_n3A = arith.select %gt3A_134, %broadcast_in_dim3A_136, %broadcast_in_dim3A_137 : vector<16xi1>, vector<16xi32>
        %add3A_138 = arith.addi %scan3A_128, %select_n3A : vector<16xi32>
        %eq3A_139 = vector.broadcast %scan3A_9 : i32 to vector<16xi32>
        %eq3A_140 = arith.cmpi eq, %bitcast_convert_type3A, %eq3A_139 : vector<16xi32>
        %jit3A_141 = arith.constant 1 : i32
        %jit3A_142 = arith.constant 0 : i32
        %broadcast_in_dim3A_143 = vector.broadcast %jit3A_141 : i32 to vector<16xi32>
        %broadcast_in_dim3A_144 = vector.broadcast %jit3A_142 : i32 to vector<16xi32>
        %select_n3A_145 = arith.select %eq3A_140, %broadcast_in_dim3A_143, %broadcast_in_dim3A_144 : vector<16xi1>, vector<16xi32>
        %add3A_146 = arith.addi %scan3A_129, %select_n3A_145 : vector<16xi32>
        %scan3A_147 = arith.constant 1 : i32
        %scan3A_148 = arith.addi %scan3A_127, %scan3A_147 : i32
        %mul3A_149 = arith.constant 16 : i32
        %mul3A_150 = arith.muli %scan3A_148, %mul3A_149 : i32
        %get3A_151 = arith.index_cast %mul3A_150 : i32 to index
        %get3A_152 = tpu.vector_load %arg5[%get3A_151] {strides = array<i32>} : memref<4096xf32, #tpu.memory_space<vmem>>, vector<16xf32>,
        %get3A_153 = vector.shape_cast %get3A_152 : vector<16xf32> to vector<16xf32>
        %bitcast_convert_type3A_154 = tpu.bitcast %get3A_153 : vector<16xf32> -> vector<16xi32>
        %gt3A_155 = vector.broadcast %scan3A_9 : i32 to vector<16xi32>
        %gt3A_156 = arith.cmpi sgt, %bitcast_convert_type3A_154, %gt3A_155 : vector<16xi32>
        %jit3A_157 = arith.constant 1 : i32
        %jit3A_158 = arith.constant 0 : i32
        %broadcast_in_dim3A_159 = vector.broadcast %jit3A_157 : i32 to vector<16xi32>
        %broadcast_in_dim3A_160 = vector.broadcast %jit3A_158 : i32 to vector<16xi32>
        %select_n3A_161 = arith.select %gt3A_156, %broadcast_in_dim3A_159, %broadcast_in_dim3A_160 : vector<16xi1>, vector<16xi32>
        %add3A_162 = arith.addi %add3A_138, %select_n3A_161 : vector<16xi32>
        %eq3A_163 = vector.broadcast %scan3A_9 : i32 to vector<16xi32>
        %eq3A_164 = arith.cmpi eq, %bitcast_convert_type3A_154, %eq3A_163 : vector<16xi32>
        %jit3A_165 = arith.constant 1 : i32
        %jit3A_166 = arith.constant 0 : i32
        %broadcast_in_dim3A_167 = vector.broadcast %jit3A_165 : i32 to vector<16xi32>
        %broadcast_in_dim3A_168 = vector.broadcast %jit3A_166 : i32 to vector<16xi32>
        %select_n3A_169 = arith.select %eq3A_164, %broadcast_in_dim3A_167, %broadcast_in_dim3A_168 : vector<16xi1>, vector<16xi32>
        %add3A_170 = arith.addi %add3A_146, %select_n3A_169 : vector<16xi32>
        %scan3A_171 = arith.constant 2 : i32
        %scan3A_172 = arith.addi %scan3A_127, %scan3A_171 : i32
        %mul3A_173 = arith.constant 16 : i32
        %mul3A_174 = arith.muli %scan3A_172, %mul3A_173 : i32
        %get3A_175 = arith.index_cast %mul3A_174 : i32 to index
        %get3A_176 = tpu.vector_load %arg5[%get3A_175] {strides = array<i32>} : memref<4096xf32, #tpu.memory_space<vmem>>, vector<16xf32>,
        %get3A_177 = vector.shape_cast %get3A_176 : vector<16xf32> to vector<16xf32>
        %bitcast_convert_type3A_178 = tpu.bitcast %get3A_177 : vector<16xf32> -> vector<16xi32>
        %gt3A_179 = vector.broadcast %scan3A_9 : i32 to vector<16xi32>
        %gt3A_180 = arith.cmpi sgt, %bitcast_convert_type3A_178, %gt3A_179 : vector<16xi32>
        %jit3A_181 = arith.constant 1 : i32
        %jit3A_182 = arith.constant 0 : i32
        %broadcast_in_dim3A_183 = vector.broadcast %jit3A_181 : i32 to vector<16xi32>
        %broadcast_in_dim3A_184 = vector.broadcast %jit3A_182 : i32 to vector<16xi32>
        %select_n3A_185 = arith.select %gt3A_180, %broadcast_in_dim3A_183, %broadcast_in_dim3A_184 : vector<16xi1>, vector<16xi32>
        %add3A_186 = arith.addi %add3A_162, %select_n3A_185 : vector<16xi32>
        %eq3A_187 = vector.broadcast %scan3A_9 : i32 to vector<16xi32>
        %eq3A_188 = arith.cmpi eq, %bitcast_convert_type3A_178, %eq3A_187 : vector<16xi32>
        %jit3A_189 = arith.constant 1 : i32
        %jit3A_190 = arith.constant 0 : i32
        %broadcast_in_dim3A_191 = vector.broadcast %jit3A_189 : i32 to vector<16xi32>
        %broadcast_in_dim3A_192 = vector.broadcast %jit3A_190 : i32 to vector<16xi32>
        %select_n3A_193 = arith.select %eq3A_188, %broadcast_in_dim3A_191, %broadcast_in_dim3A_192 : vector<16xi1>, vector<16xi32>
        %add3A_194 = arith.addi %add3A_170, %select_n3A_193 : vector<16xi32>
        %scan3A_195 = arith.constant 3 : i32
        %scan3A_196 = arith.addi %scan3A_127, %scan3A_195 : i32
        %mul3A_197 = arith.constant 16 : i32
        %mul3A_198 = arith.muli %scan3A_196, %mul3A_197 : i32
        %get3A_199 = arith.index_cast %mul3A_198 : i32 to index
        %get3A_200 = tpu.vector_load %arg5[%get3A_199] {strides = array<i32>} : memref<4096xf32, #tpu.memory_space<vmem>>, vector<16xf32>,
        %get3A_201 = vector.shape_cast %get3A_200 : vector<16xf32> to vector<16xf32>
        %bitcast_convert_type3A_202 = tpu.bitcast %get3A_201 : vector<16xf32> -> vector<16xi32>
        %gt3A_203 = vector.broadcast %scan3A_9 : i32 to vector<16xi32>
        %gt3A_204 = arith.cmpi sgt, %bitcast_convert_type3A_202, %gt3A_203 : vector<16xi32>
        %jit3A_205 = arith.constant 1 : i32
        %jit3A_206 = arith.constant 0 : i32
        %broadcast_in_dim3A_207 = vector.broadcast %jit3A_205 : i32 to vector<16xi32>
        %broadcast_in_dim3A_208 = vector.broadcast %jit3A_206 : i32 to vector<16xi32>
        %select_n3A_209 = arith.select %gt3A_204, %broadcast_in_dim3A_207, %broadcast_in_dim3A_208 : vector<16xi1>, vector<16xi32>
        %add3A_210 = arith.addi %add3A_186, %select_n3A_209 : vector<16xi32>
        %eq3A_211 = vector.broadcast %scan3A_9 : i32 to vector<16xi32>
        %eq3A_212 = arith.cmpi eq, %bitcast_convert_type3A_202, %eq3A_211 : vector<16xi32>
        %jit3A_213 = arith.constant 1 : i32
        %jit3A_214 = arith.constant 0 : i32
        %broadcast_in_dim3A_215 = vector.broadcast %jit3A_213 : i32 to vector<16xi32>
        %broadcast_in_dim3A_216 = vector.broadcast %jit3A_214 : i32 to vector<16xi32>
        %select_n3A_217 = arith.select %eq3A_212, %broadcast_in_dim3A_215, %broadcast_in_dim3A_216 : vector<16xi1>, vector<16xi32>
        %add3A_218 = arith.addi %add3A_194, %select_n3A_217 : vector<16xi32>
        %scan3A_219 = arith.constant 4 : i32
        %scan3A_220 = arith.addi %scan3A_127, %scan3A_219 : i32
        %mul3A_221 = arith.constant 16 : i32
        %mul3A_222 = arith.muli %scan3A_220, %mul3A_221 : i32
        %get3A_223 = arith.index_cast %mul3A_222 : i32 to index
        %get3A_224 = tpu.vector_load %arg5[%get3A_223] {strides = array<i32>} : memref<4096xf32, #tpu.memory_space<vmem>>, vector<16xf32>,
        %get3A_225 = vector.shape_cast %get3A_224 : vector<16xf32> to vector<16xf32>
        %bitcast_convert_type3A_226 = tpu.bitcast %get3A_225 : vector<16xf32> -> vector<16xi32>
        %gt3A_227 = vector.broadcast %scan3A_9 : i32 to vector<16xi32>
        %gt3A_228 = arith.cmpi sgt, %bitcast_convert_type3A_226, %gt3A_227 : vector<16xi32>
        %jit3A_229 = arith.constant 1 : i32
        %jit3A_230 = arith.constant 0 : i32
        %broadcast_in_dim3A_231 = vector.broadcast %jit3A_229 : i32 to vector<16xi32>
        %broadcast_in_dim3A_232 = vector.broadcast %jit3A_230 : i32 to vector<16xi32>
        %select_n3A_233 = arith.select %gt3A_228, %broadcast_in_dim3A_231, %broadcast_in_dim3A_232 : vector<16xi1>, vector<16xi32>
        %add3A_234 = arith.addi %add3A_210, %select_n3A_233 : vector<16xi32>
        %eq3A_235 = vector.broadcast %scan3A_9 : i32 to vector<16xi32>
        %eq3A_236 = arith.cmpi eq, %bitcast_convert_type3A_226, %eq3A_235 : vector<16xi32>
        %jit3A_237 = arith.constant 1 : i32
        %jit3A_238 = arith.constant 0 : i32
        %broadcast_in_dim3A_239 = vector.broadcast %jit3A_237 : i32 to vector<16xi32>
        %broadcast_in_dim3A_240 = vector.broadcast %jit3A_238 : i32 to vector<16xi32>
        %select_n3A_241 = arith.select %eq3A_236, %broadcast_in_dim3A_239, %broadcast_in_dim3A_240 : vector<16xi1>, vector<16xi32>
        %add3A_242 = arith.addi %add3A_218, %select_n3A_241 : vector<16xi32>
        %scan3A_243 = arith.constant 5 : i32
        %scan3A_244 = arith.addi %scan3A_127, %scan3A_243 : i32
        %mul3A_245 = arith.constant 16 : i32
        %mul3A_246 = arith.muli %scan3A_244, %mul3A_245 : i32
        %get3A_247 = arith.index_cast %mul3A_246 : i32 to index
        %get3A_248 = tpu.vector_load %arg5[%get3A_247] {strides = array<i32>} : memref<4096xf32, #tpu.memory_space<vmem>>, vector<16xf32>,
        %get3A_249 = vector.shape_cast %get3A_248 : vector<16xf32> to vector<16xf32>
        %bitcast_convert_type3A_250 = tpu.bitcast %get3A_249 : vector<16xf32> -> vector<16xi32>
        %gt3A_251 = vector.broadcast %scan3A_9 : i32 to vector<16xi32>
        %gt3A_252 = arith.cmpi sgt, %bitcast_convert_type3A_250, %gt3A_251 : vector<16xi32>
        %jit3A_253 = arith.constant 1 : i32
        %jit3A_254 = arith.constant 0 : i32
        %broadcast_in_dim3A_255 = vector.broadcast %jit3A_253 : i32 to vector<16xi32>
        %broadcast_in_dim3A_256 = vector.broadcast %jit3A_254 : i32 to vector<16xi32>
        %select_n3A_257 = arith.select %gt3A_252, %broadcast_in_dim3A_255, %broadcast_in_dim3A_256 : vector<16xi1>, vector<16xi32>
        %add3A_258 = arith.addi %add3A_234, %select_n3A_257 : vector<16xi32>
        %eq3A_259 = vector.broadcast %scan3A_9 : i32 to vector<16xi32>
        %eq3A_260 = arith.cmpi eq, %bitcast_convert_type3A_250, %eq3A_259 : vector<16xi32>
        %jit3A_261 = arith.constant 1 : i32
        %jit3A_262 = arith.constant 0 : i32
        %broadcast_in_dim3A_263 = vector.broadcast %jit3A_261 : i32 to vector<16xi32>
        %broadcast_in_dim3A_264 = vector.broadcast %jit3A_262 : i32 to vector<16xi32>
        %select_n3A_265 = arith.select %eq3A_260, %broadcast_in_dim3A_263, %broadcast_in_dim3A_264 : vector<16xi1>, vector<16xi32>
        %add3A_266 = arith.addi %add3A_242, %select_n3A_265 : vector<16xi32>
        %scan3A_267 = arith.constant 6 : i32
        %scan3A_268 = arith.addi %scan3A_127, %scan3A_267 : i32
        %mul3A_269 = arith.constant 16 : i32
        %mul3A_270 = arith.muli %scan3A_268, %mul3A_269 : i32
        %get3A_271 = arith.index_cast %mul3A_270 : i32 to index
        %get3A_272 = tpu.vector_load %arg5[%get3A_271] {strides = array<i32>} : memref<4096xf32, #tpu.memory_space<vmem>>, vector<16xf32>,
        %get3A_273 = vector.shape_cast %get3A_272 : vector<16xf32> to vector<16xf32>
        %bitcast_convert_type3A_274 = tpu.bitcast %get3A_273 : vector<16xf32> -> vector<16xi32>
        %gt3A_275 = vector.broadcast %scan3A_9 : i32 to vector<16xi32>
        %gt3A_276 = arith.cmpi sgt, %bitcast_convert_type3A_274, %gt3A_275 : vector<16xi32>
        %jit3A_277 = arith.constant 1 : i32
        %jit3A_278 = arith.constant 0 : i32
        %broadcast_in_dim3A_279 = vector.broadcast %jit3A_277 : i32 to vector<16xi32>
        %broadcast_in_dim3A_280 = vector.broadcast %jit3A_278 : i32 to vector<16xi32>
        %select_n3A_281 = arith.select %gt3A_276, %broadcast_in_dim3A_279, %broadcast_in_dim3A_280 : vector<16xi1>, vector<16xi32>
        %add3A_282 = arith.addi %add3A_258, %select_n3A_281 : vector<16xi32>
        %eq3A_283 = vector.broadcast %scan3A_9 : i32 to vector<16xi32>
        %eq3A_284 = arith.cmpi eq, %bitcast_convert_type3A_274, %eq3A_283 : vector<16xi32>
        %jit3A_285 = arith.constant 1 : i32
        %jit3A_286 = arith.constant 0 : i32
        %broadcast_in_dim3A_287 = vector.broadcast %jit3A_285 : i32 to vector<16xi32>
        %broadcast_in_dim3A_288 = vector.broadcast %jit3A_286 : i32 to vector<16xi32>
        %select_n3A_289 = arith.select %eq3A_284, %broadcast_in_dim3A_287, %broadcast_in_dim3A_288 : vector<16xi1>, vector<16xi32>
        %add3A_290 = arith.addi %add3A_266, %select_n3A_289 : vector<16xi32>
        %scan3A_291 = arith.constant 7 : i32
        %scan3A_292 = arith.addi %scan3A_127, %scan3A_291 : i32
        %mul3A_293 = arith.constant 16 : i32
        %mul3A_294 = arith.muli %scan3A_292, %mul3A_293 : i32
        %get3A_295 = arith.index_cast %mul3A_294 : i32 to index
        %get3A_296 = tpu.vector_load %arg5[%get3A_295] {strides = array<i32>} : memref<4096xf32, #tpu.memory_space<vmem>>, vector<16xf32>,
        %get3A_297 = vector.shape_cast %get3A_296 : vector<16xf32> to vector<16xf32>
        %bitcast_convert_type3A_298 = tpu.bitcast %get3A_297 : vector<16xf32> -> vector<16xi32>
        %gt3A_299 = vector.broadcast %scan3A_9 : i32 to vector<16xi32>
        %gt3A_300 = arith.cmpi sgt, %bitcast_convert_type3A_298, %gt3A_299 : vector<16xi32>
        %jit3A_301 = arith.constant 1 : i32
        %jit3A_302 = arith.constant 0 : i32
        %broadcast_in_dim3A_303 = vector.broadcast %jit3A_301 : i32 to vector<16xi32>
        %broadcast_in_dim3A_304 = vector.broadcast %jit3A_302 : i32 to vector<16xi32>
        %select_n3A_305 = arith.select %gt3A_300, %broadcast_in_dim3A_303, %broadcast_in_dim3A_304 : vector<16xi1>, vector<16xi32>
        %add3A_306 = arith.addi %add3A_282, %select_n3A_305 : vector<16xi32>
        %eq3A_307 = vector.broadcast %scan3A_9 : i32 to vector<16xi32>
        %eq3A_308 = arith.cmpi eq, %bitcast_convert_type3A_298, %eq3A_307 : vector<16xi32>
        %jit3A_309 = arith.constant 1 : i32
        %jit3A_310 = arith.constant 0 : i32
        %broadcast_in_dim3A_311 = vector.broadcast %jit3A_309 : i32 to vector<16xi32>
        %broadcast_in_dim3A_312 = vector.broadcast %jit3A_310 : i32 to vector<16xi32>
        %select_n3A_313 = arith.select %eq3A_308, %broadcast_in_dim3A_311, %broadcast_in_dim3A_312 : vector<16xi1>, vector<16xi32>
        %add3A_314 = arith.addi %add3A_290, %select_n3A_313 : vector<16xi32>
        scf.yield %add3A_306, %add3A_314 : vector<16xi32>, vector<16xi32>
      }
      %scan3A_19 = arith.constant 256 : i32
      %slice3A = vector.extract_strided_slice %scan3A_18#0 {offsets = [0], sizes = [1], strides = [1]} : vector<16xi32> to vector<1xi32>
      %squeeze3A = vector.extract %slice3A[0] : i32 from vector<1xi32>
      %slice3A_20 = vector.extract_strided_slice %scan3A_18#0 {offsets = [1], sizes = [1], strides = [1]} : vector<16xi32> to vector<1xi32>
      %squeeze3A_21 = vector.extract %slice3A_20[0] : i32 from vector<1xi32>
      %add3A_22 = arith.addi %squeeze3A, %squeeze3A_21 : i32
      %slice3A_23 = vector.extract_strided_slice %scan3A_18#0 {offsets = [2], sizes = [1], strides = [1]} : vector<16xi32> to vector<1xi32>
      %squeeze3A_24 = vector.extract %slice3A_23[0] : i32 from vector<1xi32>
      %add3A_25 = arith.addi %add3A_22, %squeeze3A_24 : i32
      %slice3A_26 = vector.extract_strided_slice %scan3A_18#0 {offsets = [3], sizes = [1], strides = [1]} : vector<16xi32> to vector<1xi32>
      %squeeze3A_27 = vector.extract %slice3A_26[0] : i32 from vector<1xi32>
      %add3A_28 = arith.addi %add3A_25, %squeeze3A_27 : i32
      %slice3A_29 = vector.extract_strided_slice %scan3A_18#0 {offsets = [4], sizes = [1], strides = [1]} : vector<16xi32> to vector<1xi32>
      %squeeze3A_30 = vector.extract %slice3A_29[0] : i32 from vector<1xi32>
      %add3A_31 = arith.addi %add3A_28, %squeeze3A_30 : i32
      %slice3A_32 = vector.extract_strided_slice %scan3A_18#0 {offsets = [5], sizes = [1], strides = [1]} : vector<16xi32> to vector<1xi32>
      %squeeze3A_33 = vector.extract %slice3A_32[0] : i32 from vector<1xi32>
      %add3A_34 = arith.addi %add3A_31, %squeeze3A_33 : i32
      %slice3A_35 = vector.extract_strided_slice %scan3A_18#0 {offsets = [6], sizes = [1], strides = [1]} : vector<16xi32> to vector<1xi32>
      %squeeze3A_36 = vector.extract %slice3A_35[0] : i32 from vector<1xi32>
      %add3A_37 = arith.addi %add3A_34, %squeeze3A_36 : i32
      %slice3A_38 = vector.extract_strided_slice %scan3A_18#0 {offsets = [7], sizes = [1], strides = [1]} : vector<16xi32> to vector<1xi32>
      %squeeze3A_39 = vector.extract %slice3A_38[0] : i32 from vector<1xi32>
      %add3A_40 = arith.addi %add3A_37, %squeeze3A_39 : i32
      %slice3A_41 = vector.extract_strided_slice %scan3A_18#0 {offsets = [8], sizes = [1], strides = [1]} : vector<16xi32> to vector<1xi32>
      %squeeze3A_42 = vector.extract %slice3A_41[0] : i32 from vector<1xi32>
      %add3A_43 = arith.addi %add3A_40, %squeeze3A_42 : i32
      %slice3A_44 = vector.extract_strided_slice %scan3A_18#0 {offsets = [9], sizes = [1], strides = [1]} : vector<16xi32> to vector<1xi32>
      %squeeze3A_45 = vector.extract %slice3A_44[0] : i32 from vector<1xi32>
      %add3A_46 = arith.addi %add3A_43, %squeeze3A_45 : i32
      %slice3A_47 = vector.extract_strided_slice %scan3A_18#0 {offsets = [10], sizes = [1], strides = [1]} : vector<16xi32> to vector<1xi32>
      %squeeze3A_48 = vector.extract %slice3A_47[0] : i32 from vector<1xi32>
      %add3A_49 = arith.addi %add3A_46, %squeeze3A_48 : i32
      %slice3A_50 = vector.extract_strided_slice %scan3A_18#0 {offsets = [11], sizes = [1], strides = [1]} : vector<16xi32> to vector<1xi32>
      %squeeze3A_51 = vector.extract %slice3A_50[0] : i32 from vector<1xi32>
      %add3A_52 = arith.addi %add3A_49, %squeeze3A_51 : i32
      %slice3A_53 = vector.extract_strided_slice %scan3A_18#0 {offsets = [12], sizes = [1], strides = [1]} : vector<16xi32> to vector<1xi32>
      %squeeze3A_54 = vector.extract %slice3A_53[0] : i32 from vector<1xi32>
      %add3A_55 = arith.addi %add3A_52, %squeeze3A_54 : i32
      %slice3A_56 = vector.extract_strided_slice %scan3A_18#0 {offsets = [13], sizes = [1], strides = [1]} : vector<16xi32> to vector<1xi32>
      %squeeze3A_57 = vector.extract %slice3A_56[0] : i32 from vector<1xi32>
      %add3A_58 = arith.addi %add3A_55, %squeeze3A_57 : i32
      %slice3A_59 = vector.extract_strided_slice %scan3A_18#0 {offsets = [14], sizes = [1], strides = [1]} : vector<16xi32> to vector<1xi32>
      %squeeze3A_60 = vector.extract %slice3A_59[0] : i32 from vector<1xi32>
      %add3A_61 = arith.addi %add3A_58, %squeeze3A_60 : i32
      %slice3A_62 = vector.extract_strided_slice %scan3A_18#0 {offsets = [15], sizes = [1], strides = [1]} : vector<16xi32> to vector<1xi32>
      %squeeze3A_63 = vector.extract %slice3A_62[0] : i32 from vector<1xi32>
      %add3A_64 = arith.addi %add3A_61, %squeeze3A_63 : i32
      %slice3A_65 = vector.extract_strided_slice %scan3A_18#1 {offsets = [0], sizes = [1], strides = [1]} : vector<16xi32> to vector<1xi32>
      %squeeze3A_66 = vector.extract %slice3A_65[0] : i32 from vector<1xi32>
      %slice3A_67 = vector.extract_strided_slice %scan3A_18#1 {offsets = [1], sizes = [1], strides = [1]} : vector<16xi32> to vector<1xi32>
      %squeeze3A_68 = vector.extract %slice3A_67[0] : i32 from vector<1xi32>
      %add3A_69 = arith.addi %squeeze3A_66, %squeeze3A_68 : i32
      %slice3A_70 = vector.extract_strided_slice %scan3A_18#1 {offsets = [2], sizes = [1], strides = [1]} : vector<16xi32> to vector<1xi32>
      %squeeze3A_71 = vector.extract %slice3A_70[0] : i32 from vector<1xi32>
      %add3A_72 = arith.addi %add3A_69, %squeeze3A_71 : i32
      %slice3A_73 = vector.extract_strided_slice %scan3A_18#1 {offsets = [3], sizes = [1], strides = [1]} : vector<16xi32> to vector<1xi32>
      %squeeze3A_74 = vector.extract %slice3A_73[0] : i32 from vector<1xi32>
      %add3A_75 = arith.addi %add3A_72, %squeeze3A_74 : i32
      %slice3A_76 = vector.extract_strided_slice %scan3A_18#1 {offsets = [4], sizes = [1], strides = [1]} : vector<16xi32> to vector<1xi32>
      %squeeze3A_77 = vector.extract %slice3A_76[0] : i32 from vector<1xi32>
      %add3A_78 = arith.addi %add3A_75, %squeeze3A_77 : i32
      %slice3A_79 = vector.extract_strided_slice %scan3A_18#1 {offsets = [5], sizes = [1], strides = [1]} : vector<16xi32> to vector<1xi32>
      %squeeze3A_80 = vector.extract %slice3A_79[0] : i32 from vector<1xi32>
      %add3A_81 = arith.addi %add3A_78, %squeeze3A_80 : i32
      %slice3A_82 = vector.extract_strided_slice %scan3A_18#1 {offsets = [6], sizes = [1], strides = [1]} : vector<16xi32> to vector<1xi32>
      %squeeze3A_83 = vector.extract %slice3A_82[0] : i32 from vector<1xi32>
      %add3A_84 = arith.addi %add3A_81, %squeeze3A_83 : i32
      %slice3A_85 = vector.extract_strided_slice %scan3A_18#1 {offsets = [7], sizes = [1], strides = [1]} : vector<16xi32> to vector<1xi32>
      %squeeze3A_86 = vector.extract %slice3A_85[0] : i32 from vector<1xi32>
      %add3A_87 = arith.addi %add3A_84, %squeeze3A_86 : i32
      %slice3A_88 = vector.extract_strided_slice %scan3A_18#1 {offsets = [8], sizes = [1], strides = [1]} : vector<16xi32> to vector<1xi32>
      %squeeze3A_89 = vector.extract %slice3A_88[0] : i32 from vector<1xi32>
      %add3A_90 = arith.addi %add3A_87, %squeeze3A_89 : i32
      %slice3A_91 = vector.extract_strided_slice %scan3A_18#1 {offsets = [9], sizes = [1], strides = [1]} : vector<16xi32> to vector<1xi32>
      %squeeze3A_92 = vector.extract %slice3A_91[0] : i32 from vector<1xi32>
      %add3A_93 = arith.addi %add3A_90, %squeeze3A_92 : i32
      %slice3A_94 = vector.extract_strided_slice %scan3A_18#1 {offsets = [10], sizes = [1], strides = [1]} : vector<16xi32> to vector<1xi32>
      %squeeze3A_95 = vector.extract %slice3A_94[0] : i32 from vector<1xi32>
      %add3A_96 = arith.addi %add3A_93, %squeeze3A_95 : i32
      %slice3A_97 = vector.extract_strided_slice %scan3A_18#1 {offsets = [11], sizes = [1], strides = [1]} : vector<16xi32> to vector<1xi32>
      %squeeze3A_98 = vector.extract %slice3A_97[0] : i32 from vector<1xi32>
      %add3A_99 = arith.addi %add3A_96, %squeeze3A_98 : i32
      %slice3A_100 = vector.extract_strided_slice %scan3A_18#1 {offsets = [12], sizes = [1], strides = [1]} : vector<16xi32> to vector<1xi32>
      %squeeze3A_101 = vector.extract %slice3A_100[0] : i32 from vector<1xi32>
      %add3A_102 = arith.addi %add3A_99, %squeeze3A_101 : i32
      %slice3A_103 = vector.extract_strided_slice %scan3A_18#1 {offsets = [13], sizes = [1], strides = [1]} : vector<16xi32> to vector<1xi32>
      %squeeze3A_104 = vector.extract %slice3A_103[0] : i32 from vector<1xi32>
      %add3A_105 = arith.addi %add3A_102, %squeeze3A_104 : i32
      %slice3A_106 = vector.extract_strided_slice %scan3A_18#1 {offsets = [14], sizes = [1], strides = [1]} : vector<16xi32> to vector<1xi32>
      %squeeze3A_107 = vector.extract %slice3A_106[0] : i32 from vector<1xi32>
      %add3A_108 = arith.addi %add3A_105, %squeeze3A_107 : i32
      %slice3A_109 = vector.extract_strided_slice %scan3A_18#1 {offsets = [15], sizes = [1], strides = [1]} : vector<16xi32> to vector<1xi32>
      %squeeze3A_110 = vector.extract %slice3A_109[0] : i32 from vector<1xi32>
      %add3A_111 = arith.addi %add3A_108, %squeeze3A_110 : i32
      %sub3A = arith.constant 2048 : i32
      %sub3A_112 = arith.subi %sub3A, %add3A_64 : i32
      %eq3A = arith.cmpi eq, %add3A_111, %sub3A_112 : i32
      %convert_element_type3A_113 = arith.extui %eq3A : i1 to i32
      %cond3A_114 = arith.constant 0 : i32
      %cond3A_115 = arith.cmpi ne, %convert_element_type3A_113, %cond3A_114 : i32
      %cond3A_116 = scf.if %cond3A_115 -> (i32) {
        %cond3A_127 = arith.constant 0 : i32
        scf.yield %cond3A_127 : i32
      } else {
        %scan3A_127 = arith.constant 0 : i32
        %scan3A_128 = arith.constant 0 : i32
        %scan3A_129 = arith.constant 12 : i32
        %scan3A_130 = arith.addi %scan3A_128, %scan3A_129 : i32
        %scan3A_131 = arith.constant 1 : i32
        %scan3A_132 = scf.for %scan3A_134 = %scan3A_128 to %scan3A_130 step %scan3A_131 iter_args(%scan3A_135 = %scan3A_127) -> (i32)  : i32 {
          %sub3A_136 = arith.constant 11 : i32
          %sub3A_137 = arith.subi %sub3A_136, %scan3A_134 : i32
          %shift_left3A = arith.constant 1 : i32
          %shift_left3A_138 = arith.shli %shift_left3A, %sub3A_137 : i32
          %or3A = arith.ori %scan3A_135, %shift_left3A_138 : i32
          %broadcast_in_dim3A_139 = arith.constant 0 : i32
          %broadcast_in_dim3A_140 = vector.broadcast %broadcast_in_dim3A_139 : i32 to vector<16xi32>
          %scan3A_141 = arith.constant 0 : i32
          %scan3A_142 = arith.constant 256 : i32
          %scan3A_143 = arith.addi %scan3A_141, %scan3A_142 : i32
          %scan3A_144 = arith.constant 8 : i32
          %scan3A_145 = scf.for %scan3A_194 = %scan3A_141 to %scan3A_143 step %scan3A_144 iter_args(%scan3A_195 = %broadcast_in_dim3A_140) -> (vector<16xi32>)  : i32 {
            %mul3A_196 = arith.constant 16 : i32
            %mul3A_197 = arith.muli %scan3A_194, %mul3A_196 : i32
            %get3A = arith.index_cast %mul3A_197 : i32 to index
            %get3A_198 = tpu.vector_load %arg5[%get3A] {strides = array<i32>} : memref<4096xf32, #tpu.memory_space<vmem>>, vector<16xf32>,
            %get3A_199 = vector.shape_cast %get3A_198 : vector<16xf32> to vector<16xf32>
            %bitcast_convert_type3A = tpu.bitcast %get3A_199 : vector<16xf32> -> vector<16xi32>
            %mul3A_200 = arith.constant 16 : i32
            %mul3A_201 = arith.muli %scan3A_194, %mul3A_200 : i32
            %sub3A_202 = arith.constant 4095 : i32
            %sub3A_203 = arith.subi %sub3A_202, %mul3A_201 : i32
            %iota3A = tpu.iota {dimensions = array<i32: 0>} : vector<16xi32>
            %sub3A_204 = vector.broadcast %sub3A_203 : i32 to vector<16xi32>
            %sub3A_205 = arith.subi %sub3A_204, %iota3A : vector<16xi32>
            %eq3A_206 = vector.broadcast %scan3A_9 : i32 to vector<16xi32>
            %eq3A_207 = arith.cmpi eq, %bitcast_convert_type3A, %eq3A_206 : vector<16xi32>
            %shift_right_arithmetic3A = vector.broadcast %sub3A_137 : i32 to vector<16xi32>
            %shift_right_arithmetic3A_208 = arith.shrsi %sub3A_205, %shift_right_arithmetic3A : vector<16xi32>
            %shift_right_arithmetic3A_209 = arith.shrsi %or3A, %sub3A_137 : i32
            %ge3A_210 = vector.broadcast %shift_right_arithmetic3A_209 : i32 to vector<16xi32>
            %ge3A_211 = arith.cmpi sge, %shift_right_arithmetic3A_208, %ge3A_210 : vector<16xi32>
            %and3A = arith.andi %eq3A_207, %ge3A_211 : vector<16xi1>
            %jit3A = arith.constant 1 : i32
            %jit3A_212 = arith.constant 0 : i32
            %broadcast_in_dim3A_213 = vector.broadcast %jit3A : i32 to vector<16xi32>
            %broadcast_in_dim3A_214 = vector.broadcast %jit3A_212 : i32 to vector<16xi32>
            %select_n3A_215 = arith.select %and3A, %broadcast_in_dim3A_213, %broadcast_in_dim3A_214 : vector<16xi1>, vector<16xi32>
            %add3A_216 = arith.addi %scan3A_195, %select_n3A_215 : vector<16xi32>
            %scan3A_217 = arith.constant 1 : i32
            %scan3A_218 = arith.addi %scan3A_194, %scan3A_217 : i32
            %mul3A_219 = arith.constant 16 : i32
            %mul3A_220 = arith.muli %scan3A_218, %mul3A_219 : i32
            %get3A_221 = arith.index_cast %mul3A_220 : i32 to index
            %get3A_222 = tpu.vector_load %arg5[%get3A_221] {strides = array<i32>} : memref<4096xf32, #tpu.memory_space<vmem>>, vector<16xf32>,
            %get3A_223 = vector.shape_cast %get3A_222 : vector<16xf32> to vector<16xf32>
            %bitcast_convert_type3A_224 = tpu.bitcast %get3A_223 : vector<16xf32> -> vector<16xi32>
            %mul3A_225 = arith.constant 16 : i32
            %mul3A_226 = arith.muli %scan3A_218, %mul3A_225 : i32
            %sub3A_227 = arith.constant 4095 : i32
            %sub3A_228 = arith.subi %sub3A_227, %mul3A_226 : i32
            %iota3A_229 = tpu.iota {dimensions = array<i32: 0>} : vector<16xi32>
            %sub3A_230 = vector.broadcast %sub3A_228 : i32 to vector<16xi32>
            %sub3A_231 = arith.subi %sub3A_230, %iota3A_229 : vector<16xi32>
            %eq3A_232 = vector.broadcast %scan3A_9 : i32 to vector<16xi32>
            %eq3A_233 = arith.cmpi eq, %bitcast_convert_type3A_224, %eq3A_232 : vector<16xi32>
            %shift_right_arithmetic3A_234 = vector.broadcast %sub3A_137 : i32 to vector<16xi32>
            %shift_right_arithmetic3A_235 = arith.shrsi %sub3A_231, %shift_right_arithmetic3A_234 : vector<16xi32>
            %shift_right_arithmetic3A_236 = arith.shrsi %or3A, %sub3A_137 : i32
            %ge3A_237 = vector.broadcast %shift_right_arithmetic3A_236 : i32 to vector<16xi32>
            %ge3A_238 = arith.cmpi sge, %shift_right_arithmetic3A_235, %ge3A_237 : vector<16xi32>
            %and3A_239 = arith.andi %eq3A_233, %ge3A_238 : vector<16xi1>
            %jit3A_240 = arith.constant 1 : i32
            %jit3A_241 = arith.constant 0 : i32
            %broadcast_in_dim3A_242 = vector.broadcast %jit3A_240 : i32 to vector<16xi32>
            %broadcast_in_dim3A_243 = vector.broadcast %jit3A_241 : i32 to vector<16xi32>
            %select_n3A_244 = arith.select %and3A_239, %broadcast_in_dim3A_242, %broadcast_in_dim3A_243 : vector<16xi1>, vector<16xi32>
            %add3A_245 = arith.addi %add3A_216, %select_n3A_244 : vector<16xi32>
            %scan3A_246 = arith.constant 2 : i32
            %scan3A_247 = arith.addi %scan3A_194, %scan3A_246 : i32
            %mul3A_248 = arith.constant 16 : i32
            %mul3A_249 = arith.muli %scan3A_247, %mul3A_248 : i32
            %get3A_250 = arith.index_cast %mul3A_249 : i32 to index
            %get3A_251 = tpu.vector_load %arg5[%get3A_250] {strides = array<i32>} : memref<4096xf32, #tpu.memory_space<vmem>>, vector<16xf32>,
            %get3A_252 = vector.shape_cast %get3A_251 : vector<16xf32> to vector<16xf32>
            %bitcast_convert_type3A_253 = tpu.bitcast %get3A_252 : vector<16xf32> -> vector<16xi32>
            %mul3A_254 = arith.constant 16 : i32
            %mul3A_255 = arith.muli %scan3A_247, %mul3A_254 : i32
            %sub3A_256 = arith.constant 4095 : i32
            %sub3A_257 = arith.subi %sub3A_256, %mul3A_255 : i32
            %iota3A_258 = tpu.iota {dimensions = array<i32: 0>} : vector<16xi32>
            %sub3A_259 = vector.broadcast %sub3A_257 : i32 to vector<16xi32>
            %sub3A_260 = arith.subi %sub3A_259, %iota3A_258 : vector<16xi32>
            %eq3A_261 = vector.broadcast %scan3A_9 : i32 to vector<16xi32>
            %eq3A_262 = arith.cmpi eq, %bitcast_convert_type3A_253, %eq3A_261 : vector<16xi32>
            %shift_right_arithmetic3A_263 = vector.broadcast %sub3A_137 : i32 to vector<16xi32>
            %shift_right_arithmetic3A_264 = arith.shrsi %sub3A_260, %shift_right_arithmetic3A_263 : vector<16xi32>
            %shift_right_arithmetic3A_265 = arith.shrsi %or3A, %sub3A_137 : i32
            %ge3A_266 = vector.broadcast %shift_right_arithmetic3A_265 : i32 to vector<16xi32>
            %ge3A_267 = arith.cmpi sge, %shift_right_arithmetic3A_264, %ge3A_266 : vector<16xi32>
            %and3A_268 = arith.andi %eq3A_262, %ge3A_267 : vector<16xi1>
            %jit3A_269 = arith.constant 1 : i32
            %jit3A_270 = arith.constant 0 : i32
            %broadcast_in_dim3A_271 = vector.broadcast %jit3A_269 : i32 to vector<16xi32>
            %broadcast_in_dim3A_272 = vector.broadcast %jit3A_270 : i32 to vector<16xi32>
            %select_n3A_273 = arith.select %and3A_268, %broadcast_in_dim3A_271, %broadcast_in_dim3A_272 : vector<16xi1>, vector<16xi32>
            %add3A_274 = arith.addi %add3A_245, %select_n3A_273 : vector<16xi32>
            %scan3A_275 = arith.constant 3 : i32
            %scan3A_276 = arith.addi %scan3A_194, %scan3A_275 : i32
            %mul3A_277 = arith.constant 16 : i32
            %mul3A_278 = arith.muli %scan3A_276, %mul3A_277 : i32
            %get3A_279 = arith.index_cast %mul3A_278 : i32 to index
            %get3A_280 = tpu.vector_load %arg5[%get3A_279] {strides = array<i32>} : memref<4096xf32, #tpu.memory_space<vmem>>, vector<16xf32>,
            %get3A_281 = vector.shape_cast %get3A_280 : vector<16xf32> to vector<16xf32>
            %bitcast_convert_type3A_282 = tpu.bitcast %get3A_281 : vector<16xf32> -> vector<16xi32>
            %mul3A_283 = arith.constant 16 : i32
            %mul3A_284 = arith.muli %scan3A_276, %mul3A_283 : i32
            %sub3A_285 = arith.constant 4095 : i32
            %sub3A_286 = arith.subi %sub3A_285, %mul3A_284 : i32
            %iota3A_287 = tpu.iota {dimensions = array<i32: 0>} : vector<16xi32>
            %sub3A_288 = vector.broadcast %sub3A_286 : i32 to vector<16xi32>
            %sub3A_289 = arith.subi %sub3A_288, %iota3A_287 : vector<16xi32>
            %eq3A_290 = vector.broadcast %scan3A_9 : i32 to vector<16xi32>
            %eq3A_291 = arith.cmpi eq, %bitcast_convert_type3A_282, %eq3A_290 : vector<16xi32>
            %shift_right_arithmetic3A_292 = vector.broadcast %sub3A_137 : i32 to vector<16xi32>
            %shift_right_arithmetic3A_293 = arith.shrsi %sub3A_289, %shift_right_arithmetic3A_292 : vector<16xi32>
            %shift_right_arithmetic3A_294 = arith.shrsi %or3A, %sub3A_137 : i32
            %ge3A_295 = vector.broadcast %shift_right_arithmetic3A_294 : i32 to vector<16xi32>
            %ge3A_296 = arith.cmpi sge, %shift_right_arithmetic3A_293, %ge3A_295 : vector<16xi32>
            %and3A_297 = arith.andi %eq3A_291, %ge3A_296 : vector<16xi1>
            %jit3A_298 = arith.constant 1 : i32
            %jit3A_299 = arith.constant 0 : i32
            %broadcast_in_dim3A_300 = vector.broadcast %jit3A_298 : i32 to vector<16xi32>
            %broadcast_in_dim3A_301 = vector.broadcast %jit3A_299 : i32 to vector<16xi32>
            %select_n3A_302 = arith.select %and3A_297, %broadcast_in_dim3A_300, %broadcast_in_dim3A_301 : vector<16xi1>, vector<16xi32>
            %add3A_303 = arith.addi %add3A_274, %select_n3A_302 : vector<16xi32>
            %scan3A_304 = arith.constant 4 : i32
            %scan3A_305 = arith.addi %scan3A_194, %scan3A_304 : i32
            %mul3A_306 = arith.constant 16 : i32
            %mul3A_307 = arith.muli %scan3A_305, %mul3A_306 : i32
            %get3A_308 = arith.index_cast %mul3A_307 : i32 to index
            %get3A_309 = tpu.vector_load %arg5[%get3A_308] {strides = array<i32>} : memref<4096xf32, #tpu.memory_space<vmem>>, vector<16xf32>,
            %get3A_310 = vector.shape_cast %get3A_309 : vector<16xf32> to vector<16xf32>
            %bitcast_convert_type3A_311 = tpu.bitcast %get3A_310 : vector<16xf32> -> vector<16xi32>
            %mul3A_312 = arith.constant 16 : i32
            %mul3A_313 = arith.muli %scan3A_305, %mul3A_312 : i32
            %sub3A_314 = arith.constant 4095 : i32
            %sub3A_315 = arith.subi %sub3A_314, %mul3A_313 : i32
            %iota3A_316 = tpu.iota {dimensions = array<i32: 0>} : vector<16xi32>
            %sub3A_317 = vector.broadcast %sub3A_315 : i32 to vector<16xi32>
            %sub3A_318 = arith.subi %sub3A_317, %iota3A_316 : vector<16xi32>
            %eq3A_319 = vector.broadcast %scan3A_9 : i32 to vector<16xi32>
            %eq3A_320 = arith.cmpi eq, %bitcast_convert_type3A_311, %eq3A_319 : vector<16xi32>
            %shift_right_arithmetic3A_321 = vector.broadcast %sub3A_137 : i32 to vector<16xi32>
            %shift_right_arithmetic3A_322 = arith.shrsi %sub3A_318, %shift_right_arithmetic3A_321 : vector<16xi32>
            %shift_right_arithmetic3A_323 = arith.shrsi %or3A, %sub3A_137 : i32
            %ge3A_324 = vector.broadcast %shift_right_arithmetic3A_323 : i32 to vector<16xi32>
            %ge3A_325 = arith.cmpi sge, %shift_right_arithmetic3A_322, %ge3A_324 : vector<16xi32>
            %and3A_326 = arith.andi %eq3A_320, %ge3A_325 : vector<16xi1>
            %jit3A_327 = arith.constant 1 : i32
            %jit3A_328 = arith.constant 0 : i32
            %broadcast_in_dim3A_329 = vector.broadcast %jit3A_327 : i32 to vector<16xi32>
            %broadcast_in_dim3A_330 = vector.broadcast %jit3A_328 : i32 to vector<16xi32>
            %select_n3A_331 = arith.select %and3A_326, %broadcast_in_dim3A_329, %broadcast_in_dim3A_330 : vector<16xi1>, vector<16xi32>
            %add3A_332 = arith.addi %add3A_303, %select_n3A_331 : vector<16xi32>
            %scan3A_333 = arith.constant 5 : i32
            %scan3A_334 = arith.addi %scan3A_194, %scan3A_333 : i32
            %mul3A_335 = arith.constant 16 : i32
            %mul3A_336 = arith.muli %scan3A_334, %mul3A_335 : i32
            %get3A_337 = arith.index_cast %mul3A_336 : i32 to index
            %get3A_338 = tpu.vector_load %arg5[%get3A_337] {strides = array<i32>} : memref<4096xf32, #tpu.memory_space<vmem>>, vector<16xf32>,
            %get3A_339 = vector.shape_cast %get3A_338 : vector<16xf32> to vector<16xf32>
            %bitcast_convert_type3A_340 = tpu.bitcast %get3A_339 : vector<16xf32> -> vector<16xi32>
            %mul3A_341 = arith.constant 16 : i32
            %mul3A_342 = arith.muli %scan3A_334, %mul3A_341 : i32
            %sub3A_343 = arith.constant 4095 : i32
            %sub3A_344 = arith.subi %sub3A_343, %mul3A_342 : i32
            %iota3A_345 = tpu.iota {dimensions = array<i32: 0>} : vector<16xi32>
            %sub3A_346 = vector.broadcast %sub3A_344 : i32 to vector<16xi32>
            %sub3A_347 = arith.subi %sub3A_346, %iota3A_345 : vector<16xi32>
            %eq3A_348 = vector.broadcast %scan3A_9 : i32 to vector<16xi32>
            %eq3A_349 = arith.cmpi eq, %bitcast_convert_type3A_340, %eq3A_348 : vector<16xi32>
            %shift_right_arithmetic3A_350 = vector.broadcast %sub3A_137 : i32 to vector<16xi32>
            %shift_right_arithmetic3A_351 = arith.shrsi %sub3A_347, %shift_right_arithmetic3A_350 : vector<16xi32>
            %shift_right_arithmetic3A_352 = arith.shrsi %or3A, %sub3A_137 : i32
            %ge3A_353 = vector.broadcast %shift_right_arithmetic3A_352 : i32 to vector<16xi32>
            %ge3A_354 = arith.cmpi sge, %shift_right_arithmetic3A_351, %ge3A_353 : vector<16xi32>
            %and3A_355 = arith.andi %eq3A_349, %ge3A_354 : vector<16xi1>
            %jit3A_356 = arith.constant 1 : i32
            %jit3A_357 = arith.constant 0 : i32
            %broadcast_in_dim3A_358 = vector.broadcast %jit3A_356 : i32 to vector<16xi32>
            %broadcast_in_dim3A_359 = vector.broadcast %jit3A_357 : i32 to vector<16xi32>
            %select_n3A_360 = arith.select %and3A_355, %broadcast_in_dim3A_358, %broadcast_in_dim3A_359 : vector<16xi1>, vector<16xi32>
            %add3A_361 = arith.addi %add3A_332, %select_n3A_360 : vector<16xi32>
            %scan3A_362 = arith.constant 6 : i32
            %scan3A_363 = arith.addi %scan3A_194, %scan3A_362 : i32
            %mul3A_364 = arith.constant 16 : i32
            %mul3A_365 = arith.muli %scan3A_363, %mul3A_364 : i32
            %get3A_366 = arith.index_cast %mul3A_365 : i32 to index
            %get3A_367 = tpu.vector_load %arg5[%get3A_366] {strides = array<i32>} : memref<4096xf32, #tpu.memory_space<vmem>>, vector<16xf32>,
            %get3A_368 = vector.shape_cast %get3A_367 : vector<16xf32> to vector<16xf32>
            %bitcast_convert_type3A_369 = tpu.bitcast %get3A_368 : vector<16xf32> -> vector<16xi32>
            %mul3A_370 = arith.constant 16 : i32
            %mul3A_371 = arith.muli %scan3A_363, %mul3A_370 : i32
            %sub3A_372 = arith.constant 4095 : i32
            %sub3A_373 = arith.subi %sub3A_372, %mul3A_371 : i32
            %iota3A_374 = tpu.iota {dimensions = array<i32: 0>} : vector<16xi32>
            %sub3A_375 = vector.broadcast %sub3A_373 : i32 to vector<16xi32>
            %sub3A_376 = arith.subi %sub3A_375, %iota3A_374 : vector<16xi32>
            %eq3A_377 = vector.broadcast %scan3A_9 : i32 to vector<16xi32>
            %eq3A_378 = arith.cmpi eq, %bitcast_convert_type3A_369, %eq3A_377 : vector<16xi32>
            %shift_right_arithmetic3A_379 = vector.broadcast %sub3A_137 : i32 to vector<16xi32>
            %shift_right_arithmetic3A_380 = arith.shrsi %sub3A_376, %shift_right_arithmetic3A_379 : vector<16xi32>
            %shift_right_arithmetic3A_381 = arith.shrsi %or3A, %sub3A_137 : i32
            %ge3A_382 = vector.broadcast %shift_right_arithmetic3A_381 : i32 to vector<16xi32>
            %ge3A_383 = arith.cmpi sge, %shift_right_arithmetic3A_380, %ge3A_382 : vector<16xi32>
            %and3A_384 = arith.andi %eq3A_378, %ge3A_383 : vector<16xi1>
            %jit3A_385 = arith.constant 1 : i32
            %jit3A_386 = arith.constant 0 : i32
            %broadcast_in_dim3A_387 = vector.broadcast %jit3A_385 : i32 to vector<16xi32>
            %broadcast_in_dim3A_388 = vector.broadcast %jit3A_386 : i32 to vector<16xi32>
            %select_n3A_389 = arith.select %and3A_384, %broadcast_in_dim3A_387, %broadcast_in_dim3A_388 : vector<16xi1>, vector<16xi32>
            %add3A_390 = arith.addi %add3A_361, %select_n3A_389 : vector<16xi32>
            %scan3A_391 = arith.constant 7 : i32
            %scan3A_392 = arith.addi %scan3A_194, %scan3A_391 : i32
            %mul3A_393 = arith.constant 16 : i32
            %mul3A_394 = arith.muli %scan3A_392, %mul3A_393 : i32
            %get3A_395 = arith.index_cast %mul3A_394 : i32 to index
            %get3A_396 = tpu.vector_load %arg5[%get3A_395] {strides = array<i32>} : memref<4096xf32, #tpu.memory_space<vmem>>, vector<16xf32>,
            %get3A_397 = vector.shape_cast %get3A_396 : vector<16xf32> to vector<16xf32>
            %bitcast_convert_type3A_398 = tpu.bitcast %get3A_397 : vector<16xf32> -> vector<16xi32>
            %mul3A_399 = arith.constant 16 : i32
            %mul3A_400 = arith.muli %scan3A_392, %mul3A_399 : i32
            %sub3A_401 = arith.constant 4095 : i32
            %sub3A_402 = arith.subi %sub3A_401, %mul3A_400 : i32
            %iota3A_403 = tpu.iota {dimensions = array<i32: 0>} : vector<16xi32>
            %sub3A_404 = vector.broadcast %sub3A_402 : i32 to vector<16xi32>
            %sub3A_405 = arith.subi %sub3A_404, %iota3A_403 : vector<16xi32>
            %eq3A_406 = vector.broadcast %scan3A_9 : i32 to vector<16xi32>
            %eq3A_407 = arith.cmpi eq, %bitcast_convert_type3A_398, %eq3A_406 : vector<16xi32>
            %shift_right_arithmetic3A_408 = vector.broadcast %sub3A_137 : i32 to vector<16xi32>
            %shift_right_arithmetic3A_409 = arith.shrsi %sub3A_405, %shift_right_arithmetic3A_408 : vector<16xi32>
            %shift_right_arithmetic3A_410 = arith.shrsi %or3A, %sub3A_137 : i32
            %ge3A_411 = vector.broadcast %shift_right_arithmetic3A_410 : i32 to vector<16xi32>
            %ge3A_412 = arith.cmpi sge, %shift_right_arithmetic3A_409, %ge3A_411 : vector<16xi32>
            %and3A_413 = arith.andi %eq3A_407, %ge3A_412 : vector<16xi1>
            %jit3A_414 = arith.constant 1 : i32
            %jit3A_415 = arith.constant 0 : i32
            %broadcast_in_dim3A_416 = vector.broadcast %jit3A_414 : i32 to vector<16xi32>
            %broadcast_in_dim3A_417 = vector.broadcast %jit3A_415 : i32 to vector<16xi32>
            %select_n3A_418 = arith.select %and3A_413, %broadcast_in_dim3A_416, %broadcast_in_dim3A_417 : vector<16xi1>, vector<16xi32>
            %add3A_419 = arith.addi %add3A_390, %select_n3A_418 : vector<16xi32>
            scf.yield %add3A_419 : vector<16xi32>
          }
          %scan3A_146 = arith.constant 256 : i32
          %slice3A_147 = vector.extract_strided_slice %scan3A_145 {offsets = [0], sizes = [1], strides = [1]} : vector<16xi32> to vector<1xi32>
          %squeeze3A_148 = vector.extract %slice3A_147[0] : i32 from vector<1xi32>
          %slice3A_149 = vector.extract_strided_slice %scan3A_145 {offsets = [1], sizes = [1], strides = [1]} : vector<16xi32> to vector<1xi32>
          %squeeze3A_150 = vector.extract %slice3A_149[0] : i32 from vector<1xi32>
          %add3A_151 = arith.addi %squeeze3A_148, %squeeze3A_150 : i32
          %slice3A_152 = vector.extract_strided_slice %scan3A_145 {offsets = [2], sizes = [1], strides = [1]} : vector<16xi32> to vector<1xi32>
          %squeeze3A_153 = vector.extract %slice3A_152[0] : i32 from vector<1xi32>
          %add3A_154 = arith.addi %add3A_151, %squeeze3A_153 : i32
          %slice3A_155 = vector.extract_strided_slice %scan3A_145 {offsets = [3], sizes = [1], strides = [1]} : vector<16xi32> to vector<1xi32>
          %squeeze3A_156 = vector.extract %slice3A_155[0] : i32 from vector<1xi32>
          %add3A_157 = arith.addi %add3A_154, %squeeze3A_156 : i32
          %slice3A_158 = vector.extract_strided_slice %scan3A_145 {offsets = [4], sizes = [1], strides = [1]} : vector<16xi32> to vector<1xi32>
          %squeeze3A_159 = vector.extract %slice3A_158[0] : i32 from vector<1xi32>
          %add3A_160 = arith.addi %add3A_157, %squeeze3A_159 : i32
          %slice3A_161 = vector.extract_strided_slice %scan3A_145 {offsets = [5], sizes = [1], strides = [1]} : vector<16xi32> to vector<1xi32>
          %squeeze3A_162 = vector.extract %slice3A_161[0] : i32 from vector<1xi32>
          %add3A_163 = arith.addi %add3A_160, %squeeze3A_162 : i32
          %slice3A_164 = vector.extract_strided_slice %scan3A_145 {offsets = [6], sizes = [1], strides = [1]} : vector<16xi32> to vector<1xi32>
          %squeeze3A_165 = vector.extract %slice3A_164[0] : i32 from vector<1xi32>
          %add3A_166 = arith.addi %add3A_163, %squeeze3A_165 : i32
          %slice3A_167 = vector.extract_strided_slice %scan3A_145 {offsets = [7], sizes = [1], strides = [1]} : vector<16xi32> to vector<1xi32>
          %squeeze3A_168 = vector.extract %slice3A_167[0] : i32 from vector<1xi32>
          %add3A_169 = arith.addi %add3A_166, %squeeze3A_168 : i32
          %slice3A_170 = vector.extract_strided_slice %scan3A_145 {offsets = [8], sizes = [1], strides = [1]} : vector<16xi32> to vector<1xi32>
          %squeeze3A_171 = vector.extract %slice3A_170[0] : i32 from vector<1xi32>
          %add3A_172 = arith.addi %add3A_169, %squeeze3A_171 : i32
          %slice3A_173 = vector.extract_strided_slice %scan3A_145 {offsets = [9], sizes = [1], strides = [1]} : vector<16xi32> to vector<1xi32>
          %squeeze3A_174 = vector.extract %slice3A_173[0] : i32 from vector<1xi32>
          %add3A_175 = arith.addi %add3A_172, %squeeze3A_174 : i32
          %slice3A_176 = vector.extract_strided_slice %scan3A_145 {offsets = [10], sizes = [1], strides = [1]} : vector<16xi32> to vector<1xi32>
          %squeeze3A_177 = vector.extract %slice3A_176[0] : i32 from vector<1xi32>
          %add3A_178 = arith.addi %add3A_175, %squeeze3A_177 : i32
          %slice3A_179 = vector.extract_strided_slice %scan3A_145 {offsets = [11], sizes = [1], strides = [1]} : vector<16xi32> to vector<1xi32>
          %squeeze3A_180 = vector.extract %slice3A_179[0] : i32 from vector<1xi32>
          %add3A_181 = arith.addi %add3A_178, %squeeze3A_180 : i32
          %slice3A_182 = vector.extract_strided_slice %scan3A_145 {offsets = [12], sizes = [1], strides = [1]} : vector<16xi32> to vector<1xi32>
          %squeeze3A_183 = vector.extract %slice3A_182[0] : i32 from vector<1xi32>
          %add3A_184 = arith.addi %add3A_181, %squeeze3A_183 : i32
          %slice3A_185 = vector.extract_strided_slice %scan3A_145 {offsets = [13], sizes = [1], strides = [1]} : vector<16xi32> to vector<1xi32>
          %squeeze3A_186 = vector.extract %slice3A_185[0] : i32 from vector<1xi32>
          %add3A_187 = arith.addi %add3A_184, %squeeze3A_186 : i32
          %slice3A_188 = vector.extract_strided_slice %scan3A_145 {offsets = [14], sizes = [1], strides = [1]} : vector<16xi32> to vector<1xi32>
          %squeeze3A_189 = vector.extract %slice3A_188[0] : i32 from vector<1xi32>
          %add3A_190 = arith.addi %add3A_187, %squeeze3A_189 : i32
          %slice3A_191 = vector.extract_strided_slice %scan3A_145 {offsets = [15], sizes = [1], strides = [1]} : vector<16xi32> to vector<1xi32>
          %squeeze3A_192 = vector.extract %slice3A_191[0] : i32 from vector<1xi32>
          %add3A_193 = arith.addi %add3A_190, %squeeze3A_192 : i32
          %ge3A = arith.cmpi sge, %add3A_193, %sub3A_112 : i32
          %select_n3A = arith.select %ge3A, %or3A, %scan3A_135 : i32
          scf.yield %select_n3A : i32
        }
        %scan3A_133 = arith.constant 12 : i32
        scf.yield %scan3A_132 : i32
      }
      %scan3A_117 = arith.constant 0 : i32
      %scan3A_118 = arith.constant 0 : i32
      %scan3A_119 = arith.constant 256 : i32
      %scan3A_120 = arith.addi %scan3A_118, %scan3A_119 : i32
      %scan3A_121 = arith.constant 8 : i32
      scf.for %scan3A_127 = %scan3A_118 to %scan3A_120 step %scan3A_121  : i32 {
        %mul3A_128 = arith.constant 16 : i32
        %mul3A_129 = arith.muli %scan3A_127, %mul3A_128 : i32
        %get3A = arith.index_cast %mul3A_129 : i32 to index
        %get3A_130 = tpu.vector_load %arg5[%get3A] {strides = array<i32>} : memref<4096xf32, #tpu.memory_space<vmem>>, vector<16xf32>,
        %get3A_131 = vector.shape_cast %get3A_130 : vector<16xf32> to vector<16xf32>
        %bitcast_convert_type3A = tpu.bitcast %get3A_131 : vector<16xf32> -> vector<16xi32>
        %mul3A_132 = arith.constant 16 : i32
        %mul3A_133 = arith.muli %scan3A_127, %mul3A_132 : i32
        %sub3A_134 = arith.constant 4095 : i32
        %sub3A_135 = arith.subi %sub3A_134, %mul3A_133 : i32
        %iota3A = tpu.iota {dimensions = array<i32: 0>} : vector<16xi32>
        %sub3A_136 = vector.broadcast %sub3A_135 : i32 to vector<16xi32>
        %sub3A_137 = arith.subi %sub3A_136, %iota3A : vector<16xi32>
        %gt3A = vector.broadcast %scan3A_9 : i32 to vector<16xi32>
        %gt3A_138 = arith.cmpi sgt, %bitcast_convert_type3A, %gt3A : vector<16xi32>
        %eq3A_139 = vector.broadcast %scan3A_9 : i32 to vector<16xi32>
        %eq3A_140 = arith.cmpi eq, %bitcast_convert_type3A, %eq3A_139 : vector<16xi32>
        %ge3A = vector.broadcast %cond3A_116 : i32 to vector<16xi32>
        %ge3A_141 = arith.cmpi sge, %sub3A_137, %ge3A : vector<16xi32>
        %and3A = arith.andi %eq3A_140, %ge3A_141 : vector<16xi1>
        %or3A = arith.ori %gt3A_138, %and3A : vector<16xi1>
        %mul3A_142 = arith.constant 16 : i32
        %mul3A_143 = arith.muli %scan3A_127, %mul3A_142 : i32
        %jit3A = arith.constant 1 : i32
        %jit3A_144 = arith.constant 0 : i32
        %broadcast_in_dim3A_145 = vector.broadcast %jit3A : i32 to vector<16xi32>
        %broadcast_in_dim3A_146 = vector.broadcast %jit3A_144 : i32 to vector<16xi32>
        %select_n3A = arith.select %or3A, %broadcast_in_dim3A_145, %broadcast_in_dim3A_146 : vector<16xi1>, vector<16xi32>
        %swap3A = arith.index_cast %mul3A_143 : i32 to index
        %swap3A_147 = tpu.vector_load %arg7[%swap3A] {strides = array<i32>} : memref<4096xi32, #tpu.memory_space<vmem>>, vector<16xi32>,
        %swap3A_148 = vector.shape_cast %swap3A_147 : vector<16xi32> to vector<16xi32>
        %swap3A_149 = vector.shape_cast %select_n3A : vector<16xi32> to vector<16xi32>
        tpu.vector_store %arg7[%swap3A], %swap3A_149 {strides = array<i32>} : memref<4096xi32, #tpu.memory_space<vmem>>, vector<16xi32>,
        %get3A_150 = arith.index_cast %mul3A_143 : i32 to index
        %get3A_151 = tpu.vector_load %arg5[%get3A_150] {strides = array<i32>} : memref<4096xf32, #tpu.memory_space<vmem>>, vector<16xf32>,
        %get3A_152 = vector.shape_cast %get3A_151 : vector<16xf32> to vector<16xf32>
        %jit3A_153 = arith.constant 0.000000e+00 : f32
        %broadcast_in_dim3A_154 = vector.broadcast %jit3A_153 : f32 to vector<16xf32>
        %select_n3A_155 = arith.select %or3A, %get3A_152, %broadcast_in_dim3A_154 : vector<16xi1>, vector<16xf32>
        %swap3A_156 = arith.index_cast %mul3A_143 : i32 to index
        %swap3A_157 = tpu.vector_load %arg6[%swap3A_156] {strides = array<i32>} : memref<4096xf32, #tpu.memory_space<vmem>>, vector<16xf32>,
        %swap3A_158 = vector.shape_cast %swap3A_157 : vector<16xf32> to vector<16xf32>
        %swap3A_159 = vector.shape_cast %select_n3A_155 : vector<16xf32> to vector<16xf32>
        tpu.vector_store %arg6[%swap3A_156], %swap3A_159 {strides = array<i32>} : memref<4096xf32, #tpu.memory_space<vmem>>, vector<16xf32>,
        %scan3A_160 = arith.constant 1 : i32
        %scan3A_161 = arith.addi %scan3A_127, %scan3A_160 : i32
        %mul3A_162 = arith.constant 16 : i32
        %mul3A_163 = arith.muli %scan3A_161, %mul3A_162 : i32
        %get3A_164 = arith.index_cast %mul3A_163 : i32 to index
        %get3A_165 = tpu.vector_load %arg5[%get3A_164] {strides = array<i32>} : memref<4096xf32, #tpu.memory_space<vmem>>, vector<16xf32>,
        %get3A_166 = vector.shape_cast %get3A_165 : vector<16xf32> to vector<16xf32>
        %bitcast_convert_type3A_167 = tpu.bitcast %get3A_166 : vector<16xf32> -> vector<16xi32>
        %mul3A_168 = arith.constant 16 : i32
        %mul3A_169 = arith.muli %scan3A_161, %mul3A_168 : i32
        %sub3A_170 = arith.constant 4095 : i32
        %sub3A_171 = arith.subi %sub3A_170, %mul3A_169 : i32
        %iota3A_172 = tpu.iota {dimensions = array<i32: 0>} : vector<16xi32>
        %sub3A_173 = vector.broadcast %sub3A_171 : i32 to vector<16xi32>
        %sub3A_174 = arith.subi %sub3A_173, %iota3A_172 : vector<16xi32>
        %gt3A_175 = vector.broadcast %scan3A_9 : i32 to vector<16xi32>
        %gt3A_176 = arith.cmpi sgt, %bitcast_convert_type3A_167, %gt3A_175 : vector<16xi32>
        %eq3A_177 = vector.broadcast %scan3A_9 : i32 to vector<16xi32>
        %eq3A_178 = arith.cmpi eq, %bitcast_convert_type3A_167, %eq3A_177 : vector<16xi32>
        %ge3A_179 = vector.broadcast %cond3A_116 : i32 to vector<16xi32>
        %ge3A_180 = arith.cmpi sge, %sub3A_174, %ge3A_179 : vector<16xi32>
        %and3A_181 = arith.andi %eq3A_178, %ge3A_180 : vector<16xi1>
        %or3A_182 = arith.ori %gt3A_176, %and3A_181 : vector<16xi1>
        %mul3A_183 = arith.constant 16 : i32
        %mul3A_184 = arith.muli %scan3A_161, %mul3A_183 : i32
        %jit3A_185 = arith.constant 1 : i32
        %jit3A_186 = arith.constant 0 : i32
        %broadcast_in_dim3A_187 = vector.broadcast %jit3A_185 : i32 to vector<16xi32>
        %broadcast_in_dim3A_188 = vector.broadcast %jit3A_186 : i32 to vector<16xi32>
        %select_n3A_189 = arith.select %or3A_182, %broadcast_in_dim3A_187, %broadcast_in_dim3A_188 : vector<16xi1>, vector<16xi32>
        %swap3A_190 = arith.index_cast %mul3A_184 : i32 to index
        %swap3A_191 = tpu.vector_load %arg7[%swap3A_190] {strides = array<i32>} : memref<4096xi32, #tpu.memory_space<vmem>>, vector<16xi32>,
        %swap3A_192 = vector.shape_cast %swap3A_191 : vector<16xi32> to vector<16xi32>
        %swap3A_193 = vector.shape_cast %select_n3A_189 : vector<16xi32> to vector<16xi32>
        tpu.vector_store %arg7[%swap3A_190], %swap3A_193 {strides = array<i32>} : memref<4096xi32, #tpu.memory_space<vmem>>, vector<16xi32>,
        %get3A_194 = arith.index_cast %mul3A_184 : i32 to index
        %get3A_195 = tpu.vector_load %arg5[%get3A_194] {strides = array<i32>} : memref<4096xf32, #tpu.memory_space<vmem>>, vector<16xf32>,
        %get3A_196 = vector.shape_cast %get3A_195 : vector<16xf32> to vector<16xf32>
        %jit3A_197 = arith.constant 0.000000e+00 : f32
        %broadcast_in_dim3A_198 = vector.broadcast %jit3A_197 : f32 to vector<16xf32>
        %select_n3A_199 = arith.select %or3A_182, %get3A_196, %broadcast_in_dim3A_198 : vector<16xi1>, vector<16xf32>
        %swap3A_200 = arith.index_cast %mul3A_184 : i32 to index
        %swap3A_201 = tpu.vector_load %arg6[%swap3A_200] {strides = array<i32>} : memref<4096xf32, #tpu.memory_space<vmem>>, vector<16xf32>,
        %swap3A_202 = vector.shape_cast %swap3A_201 : vector<16xf32> to vector<16xf32>
        %swap3A_203 = vector.shape_cast %select_n3A_199 : vector<16xf32> to vector<16xf32>
        tpu.vector_store %arg6[%swap3A_200], %swap3A_203 {strides = array<i32>} : memref<4096xf32, #tpu.memory_space<vmem>>, vector<16xf32>,
        %scan3A_204 = arith.constant 2 : i32
        %scan3A_205 = arith.addi %scan3A_127, %scan3A_204 : i32
        %mul3A_206 = arith.constant 16 : i32
        %mul3A_207 = arith.muli %scan3A_205, %mul3A_206 : i32
        %get3A_208 = arith.index_cast %mul3A_207 : i32 to index
        %get3A_209 = tpu.vector_load %arg5[%get3A_208] {strides = array<i32>} : memref<4096xf32, #tpu.memory_space<vmem>>, vector<16xf32>,
        %get3A_210 = vector.shape_cast %get3A_209 : vector<16xf32> to vector<16xf32>
        %bitcast_convert_type3A_211 = tpu.bitcast %get3A_210 : vector<16xf32> -> vector<16xi32>
        %mul3A_212 = arith.constant 16 : i32
        %mul3A_213 = arith.muli %scan3A_205, %mul3A_212 : i32
        %sub3A_214 = arith.constant 4095 : i32
        %sub3A_215 = arith.subi %sub3A_214, %mul3A_213 : i32
        %iota3A_216 = tpu.iota {dimensions = array<i32: 0>} : vector<16xi32>
        %sub3A_217 = vector.broadcast %sub3A_215 : i32 to vector<16xi32>
        %sub3A_218 = arith.subi %sub3A_217, %iota3A_216 : vector<16xi32>
        %gt3A_219 = vector.broadcast %scan3A_9 : i32 to vector<16xi32>
        %gt3A_220 = arith.cmpi sgt, %bitcast_convert_type3A_211, %gt3A_219 : vector<16xi32>
        %eq3A_221 = vector.broadcast %scan3A_9 : i32 to vector<16xi32>
        %eq3A_222 = arith.cmpi eq, %bitcast_convert_type3A_211, %eq3A_221 : vector<16xi32>
        %ge3A_223 = vector.broadcast %cond3A_116 : i32 to vector<16xi32>
        %ge3A_224 = arith.cmpi sge, %sub3A_218, %ge3A_223 : vector<16xi32>
        %and3A_225 = arith.andi %eq3A_222, %ge3A_224 : vector<16xi1>
        %or3A_226 = arith.ori %gt3A_220, %and3A_225 : vector<16xi1>
        %mul3A_227 = arith.constant 16 : i32
        %mul3A_228 = arith.muli %scan3A_205, %mul3A_227 : i32
        %jit3A_229 = arith.constant 1 : i32
        %jit3A_230 = arith.constant 0 : i32
        %broadcast_in_dim3A_231 = vector.broadcast %jit3A_229 : i32 to vector<16xi32>
        %broadcast_in_dim3A_232 = vector.broadcast %jit3A_230 : i32 to vector<16xi32>
        %select_n3A_233 = arith.select %or3A_226, %broadcast_in_dim3A_231, %broadcast_in_dim3A_232 : vector<16xi1>, vector<16xi32>
        %swap3A_234 = arith.index_cast %mul3A_228 : i32 to index
        %swap3A_235 = tpu.vector_load %arg7[%swap3A_234] {strides = array<i32>} : memref<4096xi32, #tpu.memory_space<vmem>>, vector<16xi32>,
        %swap3A_236 = vector.shape_cast %swap3A_235 : vector<16xi32> to vector<16xi32>
        %swap3A_237 = vector.shape_cast %select_n3A_233 : vector<16xi32> to vector<16xi32>
        tpu.vector_store %arg7[%swap3A_234], %swap3A_237 {strides = array<i32>} : memref<4096xi32, #tpu.memory_space<vmem>>, vector<16xi32>,
        %get3A_238 = arith.index_cast %mul3A_228 : i32 to index
        %get3A_239 = tpu.vector_load %arg5[%get3A_238] {strides = array<i32>} : memref<4096xf32, #tpu.memory_space<vmem>>, vector<16xf32>,
        %get3A_240 = vector.shape_cast %get3A_239 : vector<16xf32> to vector<16xf32>
        %jit3A_241 = arith.constant 0.000000e+00 : f32
        %broadcast_in_dim3A_242 = vector.broadcast %jit3A_241 : f32 to vector<16xf32>
        %select_n3A_243 = arith.select %or3A_226, %get3A_240, %broadcast_in_dim3A_242 : vector<16xi1>, vector<16xf32>
        %swap3A_244 = arith.index_cast %mul3A_228 : i32 to index
        %swap3A_245 = tpu.vector_load %arg6[%swap3A_244] {strides = array<i32>} : memref<4096xf32, #tpu.memory_space<vmem>>, vector<16xf32>,
        %swap3A_246 = vector.shape_cast %swap3A_245 : vector<16xf32> to vector<16xf32>
        %swap3A_247 = vector.shape_cast %select_n3A_243 : vector<16xf32> to vector<16xf32>
        tpu.vector_store %arg6[%swap3A_244], %swap3A_247 {strides = array<i32>} : memref<4096xf32, #tpu.memory_space<vmem>>, vector<16xf32>,
        %scan3A_248 = arith.constant 3 : i32
        %scan3A_249 = arith.addi %scan3A_127, %scan3A_248 : i32
        %mul3A_250 = arith.constant 16 : i32
        %mul3A_251 = arith.muli %scan3A_249, %mul3A_250 : i32
        %get3A_252 = arith.index_cast %mul3A_251 : i32 to index
        %get3A_253 = tpu.vector_load %arg5[%get3A_252] {strides = array<i32>} : memref<4096xf32, #tpu.memory_space<vmem>>, vector<16xf32>,
        %get3A_254 = vector.shape_cast %get3A_253 : vector<16xf32> to vector<16xf32>
        %bitcast_convert_type3A_255 = tpu.bitcast %get3A_254 : vector<16xf32> -> vector<16xi32>
        %mul3A_256 = arith.constant 16 : i32
        %mul3A_257 = arith.muli %scan3A_249, %mul3A_256 : i32
        %sub3A_258 = arith.constant 4095 : i32
        %sub3A_259 = arith.subi %sub3A_258, %mul3A_257 : i32
        %iota3A_260 = tpu.iota {dimensions = array<i32: 0>} : vector<16xi32>
        %sub3A_261 = vector.broadcast %sub3A_259 : i32 to vector<16xi32>
        %sub3A_262 = arith.subi %sub3A_261, %iota3A_260 : vector<16xi32>
        %gt3A_263 = vector.broadcast %scan3A_9 : i32 to vector<16xi32>
        %gt3A_264 = arith.cmpi sgt, %bitcast_convert_type3A_255, %gt3A_263 : vector<16xi32>
        %eq3A_265 = vector.broadcast %scan3A_9 : i32 to vector<16xi32>
        %eq3A_266 = arith.cmpi eq, %bitcast_convert_type3A_255, %eq3A_265 : vector<16xi32>
        %ge3A_267 = vector.broadcast %cond3A_116 : i32 to vector<16xi32>
        %ge3A_268 = arith.cmpi sge, %sub3A_262, %ge3A_267 : vector<16xi32>
        %and3A_269 = arith.andi %eq3A_266, %ge3A_268 : vector<16xi1>
        %or3A_270 = arith.ori %gt3A_264, %and3A_269 : vector<16xi1>
        %mul3A_271 = arith.constant 16 : i32
        %mul3A_272 = arith.muli %scan3A_249, %mul3A_271 : i32
        %jit3A_273 = arith.constant 1 : i32
        %jit3A_274 = arith.constant 0 : i32
        %broadcast_in_dim3A_275 = vector.broadcast %jit3A_273 : i32 to vector<16xi32>
        %broadcast_in_dim3A_276 = vector.broadcast %jit3A_274 : i32 to vector<16xi32>
        %select_n3A_277 = arith.select %or3A_270, %broadcast_in_dim3A_275, %broadcast_in_dim3A_276 : vector<16xi1>, vector<16xi32>
        %swap3A_278 = arith.index_cast %mul3A_272 : i32 to index
        %swap3A_279 = tpu.vector_load %arg7[%swap3A_278] {strides = array<i32>} : memref<4096xi32, #tpu.memory_space<vmem>>, vector<16xi32>,
        %swap3A_280 = vector.shape_cast %swap3A_279 : vector<16xi32> to vector<16xi32>
        %swap3A_281 = vector.shape_cast %select_n3A_277 : vector<16xi32> to vector<16xi32>
        tpu.vector_store %arg7[%swap3A_278], %swap3A_281 {strides = array<i32>} : memref<4096xi32, #tpu.memory_space<vmem>>, vector<16xi32>,
        %get3A_282 = arith.index_cast %mul3A_272 : i32 to index
        %get3A_283 = tpu.vector_load %arg5[%get3A_282] {strides = array<i32>} : memref<4096xf32, #tpu.memory_space<vmem>>, vector<16xf32>,
        %get3A_284 = vector.shape_cast %get3A_283 : vector<16xf32> to vector<16xf32>
        %jit3A_285 = arith.constant 0.000000e+00 : f32
        %broadcast_in_dim3A_286 = vector.broadcast %jit3A_285 : f32 to vector<16xf32>
        %select_n3A_287 = arith.select %or3A_270, %get3A_284, %broadcast_in_dim3A_286 : vector<16xi1>, vector<16xf32>
        %swap3A_288 = arith.index_cast %mul3A_272 : i32 to index
        %swap3A_289 = tpu.vector_load %arg6[%swap3A_288] {strides = array<i32>} : memref<4096xf32, #tpu.memory_space<vmem>>, vector<16xf32>,
        %swap3A_290 = vector.shape_cast %swap3A_289 : vector<16xf32> to vector<16xf32>
        %swap3A_291 = vector.shape_cast %select_n3A_287 : vector<16xf32> to vector<16xf32>
        tpu.vector_store %arg6[%swap3A_288], %swap3A_291 {strides = array<i32>} : memref<4096xf32, #tpu.memory_space<vmem>>, vector<16xf32>,
        %scan3A_292 = arith.constant 4 : i32
        %scan3A_293 = arith.addi %scan3A_127, %scan3A_292 : i32
        %mul3A_294 = arith.constant 16 : i32
        %mul3A_295 = arith.muli %scan3A_293, %mul3A_294 : i32
        %get3A_296 = arith.index_cast %mul3A_295 : i32 to index
        %get3A_297 = tpu.vector_load %arg5[%get3A_296] {strides = array<i32>} : memref<4096xf32, #tpu.memory_space<vmem>>, vector<16xf32>,
        %get3A_298 = vector.shape_cast %get3A_297 : vector<16xf32> to vector<16xf32>
        %bitcast_convert_type3A_299 = tpu.bitcast %get3A_298 : vector<16xf32> -> vector<16xi32>
        %mul3A_300 = arith.constant 16 : i32
        %mul3A_301 = arith.muli %scan3A_293, %mul3A_300 : i32
        %sub3A_302 = arith.constant 4095 : i32
        %sub3A_303 = arith.subi %sub3A_302, %mul3A_301 : i32
        %iota3A_304 = tpu.iota {dimensions = array<i32: 0>} : vector<16xi32>
        %sub3A_305 = vector.broadcast %sub3A_303 : i32 to vector<16xi32>
        %sub3A_306 = arith.subi %sub3A_305, %iota3A_304 : vector<16xi32>
        %gt3A_307 = vector.broadcast %scan3A_9 : i32 to vector<16xi32>
        %gt3A_308 = arith.cmpi sgt, %bitcast_convert_type3A_299, %gt3A_307 : vector<16xi32>
        %eq3A_309 = vector.broadcast %scan3A_9 : i32 to vector<16xi32>
        %eq3A_310 = arith.cmpi eq, %bitcast_convert_type3A_299, %eq3A_309 : vector<16xi32>
        %ge3A_311 = vector.broadcast %cond3A_116 : i32 to vector<16xi32>
        %ge3A_312 = arith.cmpi sge, %sub3A_306, %ge3A_311 : vector<16xi32>
        %and3A_313 = arith.andi %eq3A_310, %ge3A_312 : vector<16xi1>
        %or3A_314 = arith.ori %gt3A_308, %and3A_313 : vector<16xi1>
        %mul3A_315 = arith.constant 16 : i32
        %mul3A_316 = arith.muli %scan3A_293, %mul3A_315 : i32
        %jit3A_317 = arith.constant 1 : i32
        %jit3A_318 = arith.constant 0 : i32
        %broadcast_in_dim3A_319 = vector.broadcast %jit3A_317 : i32 to vector<16xi32>
        %broadcast_in_dim3A_320 = vector.broadcast %jit3A_318 : i32 to vector<16xi32>
        %select_n3A_321 = arith.select %or3A_314, %broadcast_in_dim3A_319, %broadcast_in_dim3A_320 : vector<16xi1>, vector<16xi32>
        %swap3A_322 = arith.index_cast %mul3A_316 : i32 to index
        %swap3A_323 = tpu.vector_load %arg7[%swap3A_322] {strides = array<i32>} : memref<4096xi32, #tpu.memory_space<vmem>>, vector<16xi32>,
        %swap3A_324 = vector.shape_cast %swap3A_323 : vector<16xi32> to vector<16xi32>
        %swap3A_325 = vector.shape_cast %select_n3A_321 : vector<16xi32> to vector<16xi32>
        tpu.vector_store %arg7[%swap3A_322], %swap3A_325 {strides = array<i32>} : memref<4096xi32, #tpu.memory_space<vmem>>, vector<16xi32>,
        %get3A_326 = arith.index_cast %mul3A_316 : i32 to index
        %get3A_327 = tpu.vector_load %arg5[%get3A_326] {strides = array<i32>} : memref<4096xf32, #tpu.memory_space<vmem>>, vector<16xf32>,
        %get3A_328 = vector.shape_cast %get3A_327 : vector<16xf32> to vector<16xf32>
        %jit3A_329 = arith.constant 0.000000e+00 : f32
        %broadcast_in_dim3A_330 = vector.broadcast %jit3A_329 : f32 to vector<16xf32>
        %select_n3A_331 = arith.select %or3A_314, %get3A_328, %broadcast_in_dim3A_330 : vector<16xi1>, vector<16xf32>
        %swap3A_332 = arith.index_cast %mul3A_316 : i32 to index
        %swap3A_333 = tpu.vector_load %arg6[%swap3A_332] {strides = array<i32>} : memref<4096xf32, #tpu.memory_space<vmem>>, vector<16xf32>,
        %swap3A_334 = vector.shape_cast %swap3A_333 : vector<16xf32> to vector<16xf32>
        %swap3A_335 = vector.shape_cast %select_n3A_331 : vector<16xf32> to vector<16xf32>
        tpu.vector_store %arg6[%swap3A_332], %swap3A_335 {strides = array<i32>} : memref<4096xf32, #tpu.memory_space<vmem>>, vector<16xf32>,
        %scan3A_336 = arith.constant 5 : i32
        %scan3A_337 = arith.addi %scan3A_127, %scan3A_336 : i32
        %mul3A_338 = arith.constant 16 : i32
        %mul3A_339 = arith.muli %scan3A_337, %mul3A_338 : i32
        %get3A_340 = arith.index_cast %mul3A_339 : i32 to index
        %get3A_341 = tpu.vector_load %arg5[%get3A_340] {strides = array<i32>} : memref<4096xf32, #tpu.memory_space<vmem>>, vector<16xf32>,
        %get3A_342 = vector.shape_cast %get3A_341 : vector<16xf32> to vector<16xf32>
        %bitcast_convert_type3A_343 = tpu.bitcast %get3A_342 : vector<16xf32> -> vector<16xi32>
        %mul3A_344 = arith.constant 16 : i32
        %mul3A_345 = arith.muli %scan3A_337, %mul3A_344 : i32
        %sub3A_346 = arith.constant 4095 : i32
        %sub3A_347 = arith.subi %sub3A_346, %mul3A_345 : i32
        %iota3A_348 = tpu.iota {dimensions = array<i32: 0>} : vector<16xi32>
        %sub3A_349 = vector.broadcast %sub3A_347 : i32 to vector<16xi32>
        %sub3A_350 = arith.subi %sub3A_349, %iota3A_348 : vector<16xi32>
        %gt3A_351 = vector.broadcast %scan3A_9 : i32 to vector<16xi32>
        %gt3A_352 = arith.cmpi sgt, %bitcast_convert_type3A_343, %gt3A_351 : vector<16xi32>
        %eq3A_353 = vector.broadcast %scan3A_9 : i32 to vector<16xi32>
        %eq3A_354 = arith.cmpi eq, %bitcast_convert_type3A_343, %eq3A_353 : vector<16xi32>
        %ge3A_355 = vector.broadcast %cond3A_116 : i32 to vector<16xi32>
        %ge3A_356 = arith.cmpi sge, %sub3A_350, %ge3A_355 : vector<16xi32>
        %and3A_357 = arith.andi %eq3A_354, %ge3A_356 : vector<16xi1>
        %or3A_358 = arith.ori %gt3A_352, %and3A_357 : vector<16xi1>
        %mul3A_359 = arith.constant 16 : i32
        %mul3A_360 = arith.muli %scan3A_337, %mul3A_359 : i32
        %jit3A_361 = arith.constant 1 : i32
        %jit3A_362 = arith.constant 0 : i32
        %broadcast_in_dim3A_363 = vector.broadcast %jit3A_361 : i32 to vector<16xi32>
        %broadcast_in_dim3A_364 = vector.broadcast %jit3A_362 : i32 to vector<16xi32>
        %select_n3A_365 = arith.select %or3A_358, %broadcast_in_dim3A_363, %broadcast_in_dim3A_364 : vector<16xi1>, vector<16xi32>
        %swap3A_366 = arith.index_cast %mul3A_360 : i32 to index
        %swap3A_367 = tpu.vector_load %arg7[%swap3A_366] {strides = array<i32>} : memref<4096xi32, #tpu.memory_space<vmem>>, vector<16xi32>,
        %swap3A_368 = vector.shape_cast %swap3A_367 : vector<16xi32> to vector<16xi32>
        %swap3A_369 = vector.shape_cast %select_n3A_365 : vector<16xi32> to vector<16xi32>
        tpu.vector_store %arg7[%swap3A_366], %swap3A_369 {strides = array<i32>} : memref<4096xi32, #tpu.memory_space<vmem>>, vector<16xi32>,
        %get3A_370 = arith.index_cast %mul3A_360 : i32 to index
        %get3A_371 = tpu.vector_load %arg5[%get3A_370] {strides = array<i32>} : memref<4096xf32, #tpu.memory_space<vmem>>, vector<16xf32>,
        %get3A_372 = vector.shape_cast %get3A_371 : vector<16xf32> to vector<16xf32>
        %jit3A_373 = arith.constant 0.000000e+00 : f32
        %broadcast_in_dim3A_374 = vector.broadcast %jit3A_373 : f32 to vector<16xf32>
        %select_n3A_375 = arith.select %or3A_358, %get3A_372, %broadcast_in_dim3A_374 : vector<16xi1>, vector<16xf32>
        %swap3A_376 = arith.index_cast %mul3A_360 : i32 to index
        %swap3A_377 = tpu.vector_load %arg6[%swap3A_376] {strides = array<i32>} : memref<4096xf32, #tpu.memory_space<vmem>>, vector<16xf32>,
        %swap3A_378 = vector.shape_cast %swap3A_377 : vector<16xf32> to vector<16xf32>
        %swap3A_379 = vector.shape_cast %select_n3A_375 : vector<16xf32> to vector<16xf32>
        tpu.vector_store %arg6[%swap3A_376], %swap3A_379 {strides = array<i32>} : memref<4096xf32, #tpu.memory_space<vmem>>, vector<16xf32>,
        %scan3A_380 = arith.constant 6 : i32
        %scan3A_381 = arith.addi %scan3A_127, %scan3A_380 : i32
        %mul3A_382 = arith.constant 16 : i32
        %mul3A_383 = arith.muli %scan3A_381, %mul3A_382 : i32
        %get3A_384 = arith.index_cast %mul3A_383 : i32 to index
        %get3A_385 = tpu.vector_load %arg5[%get3A_384] {strides = array<i32>} : memref<4096xf32, #tpu.memory_space<vmem>>, vector<16xf32>,
        %get3A_386 = vector.shape_cast %get3A_385 : vector<16xf32> to vector<16xf32>
        %bitcast_convert_type3A_387 = tpu.bitcast %get3A_386 : vector<16xf32> -> vector<16xi32>
        %mul3A_388 = arith.constant 16 : i32
        %mul3A_389 = arith.muli %scan3A_381, %mul3A_388 : i32
        %sub3A_390 = arith.constant 4095 : i32
        %sub3A_391 = arith.subi %sub3A_390, %mul3A_389 : i32
        %iota3A_392 = tpu.iota {dimensions = array<i32: 0>} : vector<16xi32>
        %sub3A_393 = vector.broadcast %sub3A_391 : i32 to vector<16xi32>
        %sub3A_394 = arith.subi %sub3A_393, %iota3A_392 : vector<16xi32>
        %gt3A_395 = vector.broadcast %scan3A_9 : i32 to vector<16xi32>
        %gt3A_396 = arith.cmpi sgt, %bitcast_convert_type3A_387, %gt3A_395 : vector<16xi32>
        %eq3A_397 = vector.broadcast %scan3A_9 : i32 to vector<16xi32>
        %eq3A_398 = arith.cmpi eq, %bitcast_convert_type3A_387, %eq3A_397 : vector<16xi32>
        %ge3A_399 = vector.broadcast %cond3A_116 : i32 to vector<16xi32>
        %ge3A_400 = arith.cmpi sge, %sub3A_394, %ge3A_399 : vector<16xi32>
        %and3A_401 = arith.andi %eq3A_398, %ge3A_400 : vector<16xi1>
        %or3A_402 = arith.ori %gt3A_396, %and3A_401 : vector<16xi1>
        %mul3A_403 = arith.constant 16 : i32
        %mul3A_404 = arith.muli %scan3A_381, %mul3A_403 : i32
        %jit3A_405 = arith.constant 1 : i32
        %jit3A_406 = arith.constant 0 : i32
        %broadcast_in_dim3A_407 = vector.broadcast %jit3A_405 : i32 to vector<16xi32>
        %broadcast_in_dim3A_408 = vector.broadcast %jit3A_406 : i32 to vector<16xi32>
        %select_n3A_409 = arith.select %or3A_402, %broadcast_in_dim3A_407, %broadcast_in_dim3A_408 : vector<16xi1>, vector<16xi32>
        %swap3A_410 = arith.index_cast %mul3A_404 : i32 to index
        %swap3A_411 = tpu.vector_load %arg7[%swap3A_410] {strides = array<i32>} : memref<4096xi32, #tpu.memory_space<vmem>>, vector<16xi32>,
        %swap3A_412 = vector.shape_cast %swap3A_411 : vector<16xi32> to vector<16xi32>
        %swap3A_413 = vector.shape_cast %select_n3A_409 : vector<16xi32> to vector<16xi32>
        tpu.vector_store %arg7[%swap3A_410], %swap3A_413 {strides = array<i32>} : memref<4096xi32, #tpu.memory_space<vmem>>, vector<16xi32>,
        %get3A_414 = arith.index_cast %mul3A_404 : i32 to index
        %get3A_415 = tpu.vector_load %arg5[%get3A_414] {strides = array<i32>} : memref<4096xf32, #tpu.memory_space<vmem>>, vector<16xf32>,
        %get3A_416 = vector.shape_cast %get3A_415 : vector<16xf32> to vector<16xf32>
        %jit3A_417 = arith.constant 0.000000e+00 : f32
        %broadcast_in_dim3A_418 = vector.broadcast %jit3A_417 : f32 to vector<16xf32>
        %select_n3A_419 = arith.select %or3A_402, %get3A_416, %broadcast_in_dim3A_418 : vector<16xi1>, vector<16xf32>
        %swap3A_420 = arith.index_cast %mul3A_404 : i32 to index
        %swap3A_421 = tpu.vector_load %arg6[%swap3A_420] {strides = array<i32>} : memref<4096xf32, #tpu.memory_space<vmem>>, vector<16xf32>,
        %swap3A_422 = vector.shape_cast %swap3A_421 : vector<16xf32> to vector<16xf32>
        %swap3A_423 = vector.shape_cast %select_n3A_419 : vector<16xf32> to vector<16xf32>
        tpu.vector_store %arg6[%swap3A_420], %swap3A_423 {strides = array<i32>} : memref<4096xf32, #tpu.memory_space<vmem>>, vector<16xf32>,
        %scan3A_424 = arith.constant 7 : i32
        %scan3A_425 = arith.addi %scan3A_127, %scan3A_424 : i32
        %mul3A_426 = arith.constant 16 : i32
        %mul3A_427 = arith.muli %scan3A_425, %mul3A_426 : i32
        %get3A_428 = arith.index_cast %mul3A_427 : i32 to index
        %get3A_429 = tpu.vector_load %arg5[%get3A_428] {strides = array<i32>} : memref<4096xf32, #tpu.memory_space<vmem>>, vector<16xf32>,
        %get3A_430 = vector.shape_cast %get3A_429 : vector<16xf32> to vector<16xf32>
        %bitcast_convert_type3A_431 = tpu.bitcast %get3A_430 : vector<16xf32> -> vector<16xi32>
        %mul3A_432 = arith.constant 16 : i32
        %mul3A_433 = arith.muli %scan3A_425, %mul3A_432 : i32
        %sub3A_434 = arith.constant 4095 : i32
        %sub3A_435 = arith.subi %sub3A_434, %mul3A_433 : i32
        %iota3A_436 = tpu.iota {dimensions = array<i32: 0>} : vector<16xi32>
        %sub3A_437 = vector.broadcast %sub3A_435 : i32 to vector<16xi32>
        %sub3A_438 = arith.subi %sub3A_437, %iota3A_436 : vector<16xi32>
        %gt3A_439 = vector.broadcast %scan3A_9 : i32 to vector<16xi32>
        %gt3A_440 = arith.cmpi sgt, %bitcast_convert_type3A_431, %gt3A_439 : vector<16xi32>
        %eq3A_441 = vector.broadcast %scan3A_9 : i32 to vector<16xi32>
        %eq3A_442 = arith.cmpi eq, %bitcast_convert_type3A_431, %eq3A_441 : vector<16xi32>
        %ge3A_443 = vector.broadcast %cond3A_116 : i32 to vector<16xi32>
        %ge3A_444 = arith.cmpi sge, %sub3A_438, %ge3A_443 : vector<16xi32>
        %and3A_445 = arith.andi %eq3A_442, %ge3A_444 : vector<16xi1>
        %or3A_446 = arith.ori %gt3A_440, %and3A_445 : vector<16xi1>
        %mul3A_447 = arith.constant 16 : i32
        %mul3A_448 = arith.muli %scan3A_425, %mul3A_447 : i32
        %jit3A_449 = arith.constant 1 : i32
        %jit3A_450 = arith.constant 0 : i32
        %broadcast_in_dim3A_451 = vector.broadcast %jit3A_449 : i32 to vector<16xi32>
        %broadcast_in_dim3A_452 = vector.broadcast %jit3A_450 : i32 to vector<16xi32>
        %select_n3A_453 = arith.select %or3A_446, %broadcast_in_dim3A_451, %broadcast_in_dim3A_452 : vector<16xi1>, vector<16xi32>
        %swap3A_454 = arith.index_cast %mul3A_448 : i32 to index
        %swap3A_455 = tpu.vector_load %arg7[%swap3A_454] {strides = array<i32>} : memref<4096xi32, #tpu.memory_space<vmem>>, vector<16xi32>,
        %swap3A_456 = vector.shape_cast %swap3A_455 : vector<16xi32> to vector<16xi32>
        %swap3A_457 = vector.shape_cast %select_n3A_453 : vector<16xi32> to vector<16xi32>
        tpu.vector_store %arg7[%swap3A_454], %swap3A_457 {strides = array<i32>} : memref<4096xi32, #tpu.memory_space<vmem>>, vector<16xi32>,
        %get3A_458 = arith.index_cast %mul3A_448 : i32 to index
        %get3A_459 = tpu.vector_load %arg5[%get3A_458] {strides = array<i32>} : memref<4096xf32, #tpu.memory_space<vmem>>, vector<16xf32>,
        %get3A_460 = vector.shape_cast %get3A_459 : vector<16xf32> to vector<16xf32>
        %jit3A_461 = arith.constant 0.000000e+00 : f32
        %broadcast_in_dim3A_462 = vector.broadcast %jit3A_461 : f32 to vector<16xf32>
        %select_n3A_463 = arith.select %or3A_446, %get3A_460, %broadcast_in_dim3A_462 : vector<16xi1>, vector<16xf32>
        %swap3A_464 = arith.index_cast %mul3A_448 : i32 to index
        %swap3A_465 = tpu.vector_load %arg6[%swap3A_464] {strides = array<i32>} : memref<4096xf32, #tpu.memory_space<vmem>>, vector<16xf32>,
        %swap3A_466 = vector.shape_cast %swap3A_465 : vector<16xf32> to vector<16xf32>
        %swap3A_467 = vector.shape_cast %select_n3A_463 : vector<16xf32> to vector<16xf32>
        tpu.vector_store %arg6[%swap3A_464], %swap3A_467 {strides = array<i32>} : memref<4096xf32, #tpu.memory_space<vmem>>, vector<16xf32>,
      }
      %scan3A_122 = arith.constant 256 : i32
      %mul3A_123 = arith.constant 4096 : i32
      %mul3A_124 = arith.muli %add3A, %mul3A_123 : i32
      "tpu.region"() ({
        %run_scoped3A = tpu.sem_alloc : memref<!tpu.dma_semaphore, #tpu.memory_space<semaphore_mem>>
        %dma_start3A = tpu.memref_slice %arg3[%mul3A_124] : memref<16384xf32, #tpu.memory_space<hbm>> -> memref<4096xf32, #tpu.memory_space<hbm>>
        %dma_start3A_127 = tpu.memref_slice %arg3[%mul3A_124] : memref<16384xf32, #tpu.memory_space<hbm>> -> memref<4096xf32, #tpu.memory_space<hbm>>
        tpu.enqueue_dma source(%arg6 : memref<4096xf32, #tpu.memory_space<vmem>>) target(%dma_start3A_127 : memref<4096xf32, #tpu.memory_space<hbm>>) target_semaphore(%run_scoped3A : memref<!tpu.dma_semaphore, #tpu.memory_space<semaphore_mem>>)
        %dma_wait3A = tpu.memref_slice %arg3[%mul3A_124] : memref<16384xf32, #tpu.memory_space<hbm>> -> memref<4096xf32, #tpu.memory_space<hbm>>
        %dma_wait3A_128 = tpu.memref_slice %arg3[%mul3A_124] : memref<16384xf32, #tpu.memory_space<hbm>> -> memref<4096xf32, #tpu.memory_space<hbm>>
        tpu.wait_dma2 semaphore(%run_scoped3A : memref<!tpu.dma_semaphore, #tpu.memory_space<semaphore_mem>>) src(%arg6 : memref<4096xf32, #tpu.memory_space<vmem>>) dst(%dma_wait3A_128 : memref<4096xf32, #tpu.memory_space<hbm>>)
        tpu.yield
      }) : () -> ()
      %mul3A_125 = arith.constant 4096 : i32
      %mul3A_126 = arith.muli %add3A, %mul3A_125 : i32
      "tpu.region"() ({
        %run_scoped3A = tpu.sem_alloc : memref<!tpu.dma_semaphore, #tpu.memory_space<semaphore_mem>>
        %dma_start3A = tpu.memref_slice %arg4[%mul3A_126] : memref<16384xi32, #tpu.memory_space<hbm>> -> memref<4096xi32, #tpu.memory_space<hbm>>
        %dma_start3A_127 = tpu.memref_slice %arg4[%mul3A_126] : memref<16384xi32, #tpu.memory_space<hbm>> -> memref<4096xi32, #tpu.memory_space<hbm>>
        tpu.enqueue_dma source(%arg7 : memref<4096xi32, #tpu.memory_space<vmem>>) target(%dma_start3A_127 : memref<4096xi32, #tpu.memory_space<hbm>>) target_semaphore(%run_scoped3A : memref<!tpu.dma_semaphore, #tpu.memory_space<semaphore_mem>>)
        %dma_wait3A = tpu.memref_slice %arg4[%mul3A_126] : memref<16384xi32, #tpu.memory_space<hbm>> -> memref<4096xi32, #tpu.memory_space<hbm>>
        %dma_wait3A_128 = tpu.memref_slice %arg4[%mul3A_126] : memref<16384xi32, #tpu.memory_space<hbm>> -> memref<4096xi32, #tpu.memory_space<hbm>>
        tpu.wait_dma2 semaphore(%run_scoped3A : memref<!tpu.dma_semaphore, #tpu.memory_space<semaphore_mem>>) src(%arg7 : memref<4096xi32, #tpu.memory_space<vmem>>) dst(%dma_wait3A_128 : memref<4096xi32, #tpu.memory_space<hbm>>)
        tpu.yield
      }) : () -> ()
    } else {
    }
    return
  }
}

module attributes {stable_mosaic.version = 14 : i64} {
  func.func @_mlp_body(%arg0: i32, %arg1: memref<1024x2048xf32, #tpu.memory_space<vmem>>, %arg2: memref<2048x512xf32, #tpu.memory_space<vmem>>, %arg3: memref<1x512xf32, #tpu.memory_space<vmem>>, %arg4: memref<1x512xf32, #tpu.memory_space<vmem>>, %arg5: memref<1x1xf32, #tpu.memory_space<vmem>>, %arg6: memref<1x1x1024xf32, #tpu.memory_space<vmem>>) attributes {dimension_semantics = [#tpu.dimension_semantics<arbitrary>], iteration_bounds = array<i64: 16>, scalar_prefetch = 0 : i64, scratch_operands = 0 : i64, tpu.core_type = #tpu.core_type<tc>, window_params = [{transform_indices = @transform_0, window_bounds = array<i64: 1024, 2048>}, {pipeline_mode = #tpu.pipeline_mode<synchronous>, transform_indices = @transform_1, window_bounds = array<i64: 2048, 512>}, {pipeline_mode = #tpu.pipeline_mode<synchronous>, transform_indices = @transform_2, window_bounds = array<i64: 1, 512>}, {pipeline_mode = #tpu.pipeline_mode<synchronous>, transform_indices = @transform_3, window_bounds = array<i64: 1, 512>}, {pipeline_mode = #tpu.pipeline_mode<synchronous>, transform_indices = @transform_4, window_bounds = array<i64: 1, 1>}, {transform_indices = @transform_5, window_bounds = array<i64: 1, 1, 1024>}]} {
    %get3A = arith.constant 0 : index
    %get3A_0 = arith.constant 0 : index
    %get3A_1 = vector.load %arg1[%get3A, %get3A_0] : memref<1024x2048xf32, #tpu.memory_space<vmem>>, vector<1024x2048xf32>
    %get3A_2 = arith.constant 0 : index
    %get3A_3 = arith.constant 0 : index
    %get3A_4 = vector.load %arg2[%get3A_2, %get3A_3] : memref<2048x512xf32, #tpu.memory_space<vmem>>, vector<2048x512xf32>
    %dot_general3A = arith.constant dense<0.000000e+00> : vector<1024x512xf32>
    %dot_general3A_5 = tpu.matmul %get3A_1, %get3A_4, %dot_general3A {dimension_numbers = #tpu.dot_dimension_numbers<[1], [0], [0], [1], [0, 0, 1, 1], [], []>, transpose_lhs_hint = false} : vector<1024x2048xf32>, vector<2048x512xf32>, vector<1024x512xf32> -> vector<1024x512xf32>
    %get3A_6 = arith.constant 0 : index
    %get3A_7 = arith.constant 0 : index
    %get3A_8 = vector.load %arg3[%get3A_6, %get3A_7] : memref<1x512xf32, #tpu.memory_space<vmem>>, vector<1x512xf32>
    %add3A = vector.broadcast %get3A_8 : vector<1x512xf32> to vector<1024x512xf32>
    %add3A_9 = arith.addf %dot_general3A_5, %add3A : vector<1024x512xf32>
    %mul3A = arith.constant 0.707106769 : f32
    %mul3A_10 = vector.broadcast %mul3A : f32 to vector<1024x512xf32>
    %mul3A_11 = arith.mulf %add3A_9, %mul3A_10 : vector<1024x512xf32>
    %erf3A = math.erf %mul3A_11 : vector<1024x512xf32>
    %add3A_12 = arith.constant 1.000000e+00 : f32
    %add3A_13 = vector.broadcast %add3A_12 : f32 to vector<1024x512xf32>
    %add3A_14 = arith.addf %erf3A, %add3A_13 : vector<1024x512xf32>
    %mul3A_15 = arith.constant 5.000000e-01 : f32
    %mul3A_16 = vector.broadcast %mul3A_15 : f32 to vector<1024x512xf32>
    %mul3A_17 = arith.mulf %mul3A_16, %add3A_14 : vector<1024x512xf32>
    %mul3A_18 = arith.mulf %add3A_9, %mul3A_17 : vector<1024x512xf32>
    %get3A_19 = arith.constant 0 : index
    %get3A_20 = arith.constant 0 : index
    %get3A_21 = vector.load %arg4[%get3A_19, %get3A_20] : memref<1x512xf32, #tpu.memory_space<vmem>>, vector<1x512xf32>
    %dot_general3A_22 = arith.constant dense<0.000000e+00> : vector<1x1024xf32>
    %dot_general3A_23 = tpu.matmul %get3A_21, %mul3A_18, %dot_general3A_22 {dimension_numbers = #tpu.dot_dimension_numbers<[1], [1], [0], [0], [0, 0, 1, 0], [], []>, transpose_lhs_hint = false} : vector<1x512xf32>, vector<1024x512xf32>, vector<1x1024xf32> -> vector<1x1024xf32>
    %get3A_24 = arith.constant 0 : index
    %get3A_25 = arith.constant 0 : index
    %get3A_26 = vector.load %arg5[%get3A_24, %get3A_25] : memref<1x1xf32, #tpu.memory_space<vmem>>, vector<1x1xf32>
    %add3A_27 = vector.broadcast %get3A_26 : vector<1x1xf32> to vector<1x1024xf32>
    %add3A_28 = arith.addf %dot_general3A_23, %add3A_27 : vector<1x1024xf32>
    %logistic3A = arith.negf %add3A_28 : vector<1x1024xf32>
    %logistic3A_29 = math.exp %logistic3A : vector<1x1024xf32>
    %logistic3A_30 = arith.constant 1.000000e+00 : f32
    %logistic3A_31 = vector.broadcast %logistic3A_30 : f32 to vector<1x1024xf32>
    %logistic3A_32 = arith.addf %logistic3A_31, %logistic3A_29 : vector<1x1024xf32>
    %logistic3A_33 = arith.divf %logistic3A_31, %logistic3A_32 : vector<1x1024xf32>
    %broadcast_in_dim3A = vector.shape_cast %logistic3A_33 : vector<1x1024xf32> to vector<1x1x1024xf32>
    %swap3A = arith.constant 0 : index
    %swap3A_34 = arith.constant 0 : index
    %swap3A_35 = arith.constant 0 : index
    %swap3A_36 = vector.load %arg6[%swap3A, %swap3A_34, %swap3A_35] : memref<1x1x1024xf32, #tpu.memory_space<vmem>>, vector<1x1x1024xf32>
    tpu.vector_store %arg6[%swap3A, %swap3A_34, %swap3A_35], %broadcast_in_dim3A {strides = array<i32>} : memref<1x1x1024xf32, #tpu.memory_space<vmem>>, vector<1x1x1024xf32>,
    return
  }
  func.func @transform_0(%arg0: i32) -> (i32, i32) {
    %c0_i32 = arith.constant 0 : i32
    %c0_i32_0 = arith.constant 0 : i32
    return %arg0, %c0_i32 : i32, i32
  }
  func.func @transform_1(%arg0: i32) -> (i32, i32) {
    %c0_i32 = arith.constant 0 : i32
    %c0_i32_0 = arith.constant 0 : i32
    %c0_i32_1 = arith.constant 0 : i32
    return %c0_i32, %c0_i32_0 : i32, i32
  }
  func.func @transform_2(%arg0: i32) -> (i32, i32) {
    %c0_i32 = arith.constant 0 : i32
    %c0_i32_0 = arith.constant 0 : i32
    %c0_i32_1 = arith.constant 0 : i32
    return %c0_i32, %c0_i32_0 : i32, i32
  }
  func.func @transform_3(%arg0: i32) -> (i32, i32) {
    %c0_i32 = arith.constant 0 : i32
    %c0_i32_0 = arith.constant 0 : i32
    %c0_i32_1 = arith.constant 0 : i32
    return %c0_i32, %c0_i32_0 : i32, i32
  }
  func.func @transform_4(%arg0: i32) -> (i32, i32) {
    %c0_i32 = arith.constant 0 : i32
    %c0_i32_0 = arith.constant 0 : i32
    %c0_i32_1 = arith.constant 0 : i32
    return %c0_i32, %c0_i32_0 : i32, i32
  }
  func.func @transform_5(%arg0: i32) -> (i32, i32, i32) {
    %c0_i32 = arith.constant 0 : i32
    %c0_i32_0 = arith.constant 0 : i32
    %c0_i32_1 = arith.constant 0 : i32
    return %arg0, %c0_i32, %c0_i32_0 : i32, i32, i32
  }
}

</mosaic_0001>

<sc_bundles>
// kernel: kernel.4.cloned.1.call-start
scs
__scs_entry_jumppad:
0x0: {  	(pc) =	sbr.rel $0x88, $3  }
0x1: {  	(tag) =	ssettag $0x0;
	lr =	simm.s32 $0x1  }
0x2: {  	[smem:$0x3F9C] =	sst lr;
	_ =	strace $0xD0000000  }
0x3: {  	_ = 	snop  }
0x4: {  	_ = 	snop  }
0x5: {  	_ = 	snop  }
0x6: {  	_ = 	snop  }
0x7: {  	_ = 	snop  }
__scs_overlays_trampoline_lowered:
0x8: {  	[smem:$0x3FAB] =	sst s0  }
0x9: {  	[smem:$0x3FAC] =	sst s1  }
0xa: {  	[smem:$0x3FAD] =	sst s2  }
0xb: {  	[smem:$0x3FAE] =	sst s3  }
0xc: {  	[smem:$0x3FAF] =	sst s4  }
0xd: {  	[smem:$0x3FB0] =	sst s5  }
0xe: {  	[smem:$0x3FB1] =	sst s6  }
0xf: {  	[smem:$0x3FB2] =	sst s7  }
0x10: {  	[smem:$0x3FB3] =	sst s8  }
0x11: {  	[smem:$0x3FB4] =	sst s9;
	s0 =	simm.s32 @!p0 $0x0  }
0x12: {  	s1 =	sld [smem:$0x3F9A];
	s0 =	simm.s32 @p0 $0x1  }
0x13: {  	[smem:$0x3FB5] =	sst s0;
	s0 =	simm.s32 @!p1 $0x0  }
0x14: {  	s2 =	sld [smem:$0x3F99];
	s0 =	simm.s32 @p1 $0x1  }
0x15: {  	[smem:$0x3FB6] =	sst s0;
	s0 =	simm.s32 @!p2 $0x0  }
0x16: {  	s3 =	sld [smem:$0x3FDB];
	s0 =	simm.s32 @p2 $0x1  }
0x17: {  	s4 =	simm.s32 $0x1BF5;
	[smem:$0x3FB8] =	sst s0  }
0x18: {  	s0 =	sld [smem:$0x3F9B];
	_ =	swait.ge [sflag:s4], $0x0  }
0x19: {  	s7 =	sld [smem:$0x3F9C]  }
0x1a: {  	s8 =	sadd.s32 $0xFFFFE003, lr  }
0x1b: {  	s9 =	sadd.s32 $0xFFFFFEF7, lr;
	s5 =	simm.s32 $0xFFFFFFFF;
	p2 =	slt.u32 s8, $0xFFFFF086  }
0x1c: {  	p1 =	slt.u32 s9, $0xF7A;
	s5 =	simm.s32 @!p2 $0x0  }
0x1d: {  	s5 =	simm.s32 @p1 $0x1;
	p0 =	seq.s32 s7, s2  }
0x1e: {  	s7 =	smul.u32 @!p0 $0xF7A, s2;
	p2 =	seq.s32 @!p0 s5, $0x0  }
0x1f: {  	s9 =	smul.u32 $0xF7A, s1;
	s8 =	simm.s32 @!p0 $0x1BF5;
	p2 =	por !p2, p0  }
0x20: {  	[sflag:s8] =	ssyncset.s32 @!p0 $0xFFFFF086;
	s6 =	sadd.s32 @!p0 s3, s7;
	s7 =	simm.s32 @!p0 $0x108  }
0x21: {  	s3 =	sadd.s32 s3, s9;
	s6 =	sadd.s32 @!p0 $0x88, s6;
	s7 =	simm.s32 @p2 $0x1082  }
0x22: {  	[simem:s7], [sflag:s8] =	dma.local @!p0 [hbm:s6], $0xF7A  }
0x23: {  	s9 =	sor.u32 $0xD0000000, s2;
	s6 =	simm.s32 $0x108;
	_ =	swait.ge @!p0 [sflag:s8], $0x0  }
0x24: {  	s3 =	sadd.s32 $0x88, s3;
	s6 =	simm.s32 @!p1 $0x1082;
	[sflag:s4] =	ssyncset.s32 $0xFFFFF086  }
0x25: {  	[simem:s6], [sflag:s4] =	dma.local [hbm:s3], $0xF7A  }
0x26: {  	[smem:$0x3F9C] =	sst s1;
	(tag) =	ssettag s2;
	_ =	strace s9  }
0x27: {  	s1 =	sld [smem:$0x3FAC]  }
0x28: {  	s2 =	sld [smem:$0x3FAD]  }
0x29: {  	s4 =	sld [smem:$0x3FAF]  }
0x2a: {  	p0 =	seq.s32 s5, $0x0;
	s5 =	sld [smem:$0x3FB0]  }
0x2b: {  	s6 =	sld [smem:$0x3FB1]  }
0x2c: {  	s7 =	sld [smem:$0x3FB2]  }
0x2d: {  	s3 =	simm.s32 $0x108;
	s8 =	sld [smem:$0x3FB3]  }
0x2e: {  	s3 =	simm.s32 @!p0 $0x1082;
	s9 =	sld [smem:$0x3FB4]  }
0x2f: {  	lr =	sadd.s32 s0, s3;
	s0 =	sld [smem:$0x3FAB]  }
0x30: {  	s3 =	sld [smem:$0x3FAE]  }
0x31: {  	[smem:$0x3FB7] =	sst s10  }
0x32: {  	s10 =	sld [smem:$0x3FB5];
	_ =	sdelay $0x3  }
0x33: {  	p0 =	seq.s32 s10, $0x1;
	s10 =	sld [smem:$0x3FB7];
	_ =	sdelay $0x3  }
0x34: {  	[smem:$0x3FB7] =	sst s10  }
0x35: {  	s10 =	sld [smem:$0x3FB6];
	_ =	sdelay $0x3  }
0x36: {  	p1 =	seq.s32 s10, $0x1;
	s10 =	sld [smem:$0x3FB7];
	_ =	sdelay $0x3  }
0x37: {  	[smem:$0x3FB7] =	sst s10  }
0x38: {  	s10 =	sld [smem:$0x3FB8]  }
0x39: {  	_ = 	snop;
	(pc) =	sbr.ind lr, $3  }
0x3a: {  	_ = 	snop  }
0x3b: {  	_ = 	snop  }
0x3c: {  	p2 =	seq.s32 s10, $0x1;
	s10 =	sld [smem:$0x3FB7]  }
0x3d: {  	_ =	shalt  }
0x3e: {  	_ =	shalt  }
0x3f: {  	_ =	shalt  }
0x40: {  	_ =	shalt  }
0x41: {  	_ =	shalt  }
0x42: {  	_ =	shalt  }
0x43: {  	_ =	shalt  }
0x44: {  	_ =	shalt  }
0x45: {  	_ =	shalt  }
0x46: {  	_ =	shalt  }
0x47: {  	_ =	shalt  }
0x48: {  	_ =	shalt  }
0x49: {  	_ =	shalt  }
0x4a: {  	_ =	shalt  }
0x4b: {  	_ =	shalt  }
0x4c: {  	_ =	shalt  }
0x4d: {  	_ =	shalt  }
0x4e: {  	_ =	shalt  }
0x4f: {  	_ =	shalt  }
0x50: {  	_ =	shalt  }
0x51: {  	_ =	shalt  }
0x52: {  	_ =	shalt  }
0x53: {  	_ =	shalt  }
0x54: {  	_ =	shalt  }
0x55: {  	_ =	shalt  }
0x56: {  	_ =	shalt  }
0x57: {  	_ =	shalt  }
0x58: {  	_ =	shalt  }
0x59: {  	_ =	shalt  }
0x5a: {  	_ =	shalt  }
0x5b: {  	_ =	shalt  }
0x5c: {  	_ =	shalt  }
0x5d: {  	_ =	shalt  }
0x5e: {  	_ =	shalt  }
0x5f: {  	_ =	shalt  }
0x60: {  	_ =	shalt  }
0x61: {  	_ =	shalt  }
0x62: {  	_ =	shalt  }
0x63: {  	_ =	shalt  }
0x64: {  	_ =	shalt  }
0x65: {  	_ =	shalt  }
0x66: {  	_ =	shalt  }
0x67: {  	_ =	shalt  }
0x68: {  	_ =	shalt  }
0x69: {  	_ =	shalt  }
0x6a: {  	_ =	shalt  }
0x6b: {  	_ =	shalt  }
0x6c: {  	_ =	shalt  }
0x6d: {  	_ =	shalt  }
0x6e: {  	_ =	shalt  }
0x6f: {  	_ =	shalt  }
0x70: {  	_ =	shalt  }
0x71: {  	_ =	shalt  }
0x72: {  	_ =	shalt  }
0x73: {  	_ =	shalt  }
0x74: {  	_ =	shalt  }
0x75: {  	_ =	shalt  }
0x76: {  	_ =	shalt  }
0x77: {  	_ =	shalt  }
0x78: {  	_ =	shalt  }
0x79: {  	_ =	shalt  }
0x7a: {  	_ =	shalt  }
0x7b: {  	_ =	shalt  }
0x7c: {  	_ =	shalt  }
0x7d: {  	_ =	shalt  }
0x7e: {  	_ =	shalt  }
0x7f: {  	_ =	shalt  }
0x80: {  	_ =	shalt  }
0x81: {  	_ =	shalt  }
0x82: {  	_ =	shalt  }
0x83: {  	_ =	shalt  }
0x84: {  	_ =	shalt  }
0x85: {  	_ =	shalt  }
0x86: {  	_ =	shalt  }
0x87: {  	_ =	shalt  }
.Lfunc_end0:
.L_simem_size_0:
called_computation_lowered:
.L_overlay_start_0:
0x88: {  	s2 =	sld [smem:$0x3FD9]  }
0x89: {  	s3 =	sld [smem:$0x3FFE];
	_ =	sdelay $0x1  }
0x8a: {  	s1 =	srdreg.scid  }
0x8b: {  	s0 =	sand.u32 $0x1, s1  }
0x8c: {  	s14 =	sshll.u32 s0, $0xA;
	s2 =	sadd.s32 s3, s2  }
0x8d: {  	s2 =	sadd.s32 s2, s14  }
0x8e: {  	[smem:$0x3FC3] =	sst s2  }
0x8f: {  	_ = 	snop  }
0x90: {  	s2 =	sld [smem:$0x3FD0];
	_ =	sdelay $0x2  }
0x91: {  	s15 =	simm.s32 $0xA;
	s4 =	simm.s32 $0x10  }
0x92: {  	[smem:s4], [sflag:s15] =	dma.local [hbm:s2], $0x1  }
0x93: {  	_ =	swait.eq [sflag:s15], $0x1  }
0x94: {  	[sflag:s15] =	ssyncset.done $0x0  }
0x95: {  	[sflag:s15] =	ssyncadd.s32 $0xFFFFFFFF  }
0x96: {  	s16 =	sld [smem:$0x10];
	(tm) =	ssettm $0x1  }
0x97: {  	s17 =	sld [smem:$0x3FFB];
	_ =	sdelay $0x3  }
0x98: {  	_ =	strace s17  }
0x99: {  	s3 =	sld [smem:$0x3FFC];
	_ =	sdelay $0x3  }
0x9a: {  	_ =	strace s3  }
0x9b: {  	s3 =	sld [smem:$0x3FFD];
	_ =	sdelay $0x3  }
0x9c: {  	_ =	strace s3  }
0x9d: {  	_ =	strace $0x8FFFFFFF  }
0x9e: {  	s18 =	sld [smem:$0x3FDB];
	_ =	sdelay $0x1  }
0x9f: {  	s19 =	simm.s32 $_scs_section_size  }
0xa0: {  	s5 =	simm.s32 $_size__tile_overlayer_lowered;
	s6 =	simm.s32 $_tile_overlayer_lowered  }
0xa1: {  	s22 =	simm.s32 $0x1BFF;
	s21 =	sshll.u32 s6, $0x1;
	s3 =	sadd.s32 s19, s18  }
0xa2: {  	s7 =	simm.s32 $0x0;
	s20 =	sshll.u32 s5, $0x1;
	s5 =	sadd.s32 s21, s3  }
0xa3: {  	[timem:s7], [sflag:s22] =	dma.local [hbm:s5], s20  }
0xa4: {  	_ =	swait.ge [sflag:s22], s20  }
0xa5: {  	s4 =	ssub.s32 $0x0, s20;
	[sflag:s22] =	ssyncset.done $0x0  }
0xa6: {  	[sflag:s22] =	ssyncadd.s32 s4;
	_ =	sdelay $0x1  }
0xa7: {  	s23 =	simm.s32 $0x1B8B  }
0xa8: {  	_ =	swait.ge [sflag:s23], $0x1  }
0xa9: {  	[sflag:s23] =	ssyncset.done $0x0  }
0xaa: {  	s25 =	simm.s32 $0x1B8E;
	s24 =	sld [smem:$0x3FFE];
	[sflag:s23] =	ssyncadd.s32 $0xFFFFFFFF  }
0xab: {  	s26 =	simm.s32 $execute0_lowered;
	[smem:$0x3FD2] =	sst s25  }
0xac: {  	s5 =	sshll.u32 s26, $0x1;
	_ =	strace $0x80000046;
	[dreg:$0x1] =	wrdreg $0xFFFFFFFF  }
0xad: {  	s28 =	simm.s32 $_size_execute0_lowered;
	s3 =	sadd.s32 s3, s5;
	[dreg:$0x0] =	wrdreg $0x0  }
0xae: {  	s5 =	sshll.u32 s28, $0x1;
	[dreg:$0x2] =	wrdreg s3  }
0xaf: {  	[dreg:$0x3] =	wrdreg s5  }
0xb0: {  	[dreg:$0x4] =	wrdreg $0xC0  }
0xb1: {  	_ =	task [dreg:s7], $0x5FFFF  }
0xb2: {  	[dreg:$0x1] =	wrdreg $0xFFFFFFFF  }
0xb3: {  	[dreg:$0x0] =	wrdreg $0x60  }
0xb4: {  	[dreg:$0x2] =	wrdreg s16  }
0xb5: {  	[dreg:$0x3] =	wrdreg s24  }
0xb6: {  	[dreg:$0x4] =	wrdreg $0x9  }
0xb7: {  	_ =	task.clear_ibuf [dreg:s7], $0x5FFFF;
	_ =	strace $0x90000046  }
0xb8: {  	s29 =	simm.s32 $0x9;
	_ =	strace $0x80000048  }
0xb9: {  	_ =	swait.ge [sflag:s29], $0x1  }
0xba: {  	[sflag:s29] =	ssyncadd.s32 $0xFFFFFFFF  }
0xbb: {  	_ =	strace $0x90000048  }
0xbc: {  	_ =	sfence  }
0xbd: {  	s30 =	sld [smem:$0x0];
	_ =	sdelay $0x2  }
0xbe: {  	s31 =	sshll.u32 s1, $0xD;
	s1 =	sshrl.u32 s1, $0x2  }
0xbf: {  	s3 =	sand.u32 $0x4000, s31;
	s1 =	sadd.s32 s1, s30  }
0xc0: {  	s0 =	sor.u32 s3, s0;
	s1 =	sshll.u32 s1, $0x11  }
0xc1: {  	s0 =	sor.u32 s1, s0  }
0xc2: {  	s0 =	sadd.s32 $0x8F2B, s0  }
0xc3: {  	[sflag:s0] =	ssyncadd.remote.s32 $0x1  }
0xc4: {  	_ =	sfence.sel $0xFFFF  }
0xc5: {  	[dreg:$0x0] =	wrdreg $0xFFFFFFFF;
	(pc) =	sbr.abs _section_cstart, $3  }
0xc6: {  	[dreg:$0x1] =	wrdreg $0xFFFFFFFF  }
0xc7: {  	_ =	task.clear_ibuf [dreg:s7], $0x2FFFF;
	_ =	strace $0x9FFFFFFF  }
0xc8: {  	(tm) =	ssettm $0x7FFFFFFF  }
0xc9: {  	_ =	shalt  }
tec
execute0_lowered:
.L_overlay_start_1:
0x0: {  	(tag) =	ssettag $0x1  }
0x1: {  	s1 =	stileid.u32  }
0x2: {  	p0 =	sgt.u32 s1, $0x1  }
.Ltmp0:
0x3: {  	_ = 	snop;
	(pc) =	sbr.rel @p0 .LBB2_15-.Ltmp0, $4  }
0x4: {  	s5 =	rddreg [dreg:$0x0]  }
0x5: {  	s3 =	rddreg [dreg:$0x1];
	s2 =	simm.s32 $0x0  }
0x6: {  	[smem:$0x7FF] =	sst s2  }
0x7: {  	s0 =	rddreg [dreg:$0x2];
	_ =	strace $0x80000047  }
0x8: {  	s4 =	srdreg.scid  }
0x9: {  	s6 =	sshll.u32 s1, $0xA;
	s9 =	simm.s32 $0x1000;
	s4 =	sand.u32 $0x1, s4  }
0xa: {  	s10 =	simm.s32 $0x2000;
	s7 =	sshll.u32 s4, $0x9;
	s4 =	ssub.s32 $0x2, s4  }
0xb: {  	s11 =	simm.s32 $0x800;
	s6 =	sor.u32 s7, s6;
	s8 =	sshrl.u32 s4, $0x1  }
0xc: {  	v1 =	vlaneseq.u32;
	s12 =	simm.s32 $0x0;
	s7 =	sadd.s32 s6, s3;
	s8 =	ssub.s32 s4, s8  }
0xd: {  	v1 =	vmul.u32 $0xFFFFFFFF, v1;
	s5 =	sadd.s32 s5, s6;
	s3 =	sadd.s32 $0x1000, s7;
	s4 =	sadd.s32 $0x1800, s7  }
0xe: {  	v0 =	vimm.s32 $0x0;
	s6 =	smax.u32 s8, $0x1;
	s7 =	simm.s32 $0x1;
	s8 =	simm.s32 $0x40000000  }
.LBB2_2:
0xf: {  	s13 =	simm.s32 $0x0  }
0x10: {  	[tilespmem:s13], [sflag:$0x1] =	stream.linear.gather [hbm4b:s5+s13], $0x1000, $0x38;
	[tilespmem:$0x3000] =	vst v63  }
0x11: {  	_ =	swait.ge [sflag:s7], $0x1000  }
0x12: {  	[sflag:s7] =	ssyncset.done $0x0  }
0x13: {  	s14 =	simm.s32 $0x0;
	[sflag:s7] =	ssyncadd.s32 $0xFFFFF000  }
.LBB2_3:
0x14: {  	s17 =	simm.s32 $0x40  }
0x15: {  	v3 =	vld [tilespmem:s17+$0x30]  }
0x16: {  	v5 =	vld [tilespmem:s17+$0x20]  }
0x17: {  	v6 =	vld [tilespmem:s17+$0x10]  }
0x18: {  	v8 =	vld [tilespmem:s17+$0x0]  }
0x19: {  	v12 =	vld [tilespmem:s17+$0xFFFFFFC0]  }
0x1a: {  	v7 =	vld [tilespmem:s17+$0xFFFFFFF0]  }
0x1b: {  	s15 =	sshrl.u32 s8, s14;
	v9 =	vld [tilespmem:s17+$0xFFFFFFD0]  }
0x1c: {  	s16 =	ssub.s32 $0x1E, s14;
	s15 =	sor.u32 s15, s13;
	v10 =	vld [tilespmem:s17+$0xFFFFFFE0]  }
0x1d: {  	v11 =	vimm.s32 $0x0;
	v4 =	vmov s16;
	s18 =	sshrl.u32 s15, s16  }
0x1e: {  	v2 =	vmov s18;
	v5 =	vshra.s32 v5, v4;
	v3 =	vshra.s32 v3, v4  }
0x1f: {  	s17 =	simm.s32 $0xC0;
	s16 =	simm.s32 $0x0;
	v12 =	vshra.s32 v12, v4;
	v8 =	vshra.s32 v8, v4;
	v6 =	vshra.s32 v6, v4  }
.LBB2_4:
0x20: {  	v13 =	vld [tilespmem:s17+$0x30];
	vm0 =	vge.s32 v12, v2;
	v9 =	vshra.s32 v9, v4;
	v7 =	vshra.s32 v7, v4  }
0x21: {  	v12 =	vld [tilespmem:s17+$0x20];
	v14 =	vsel vm0, $0x1, v0;
	vm0 =	vge.s32 v9, v2;
	v9 =	vshra.s32 v10, v4  }
0x22: {  	v15 =	vld [tilespmem:s17+$0x10];
	v10 =	vadd.s32 v14, v11;
	v11 =	vsel vm0, $0x1, v0;
	vm0 =	vge.s32 v9, v2  }
0x23: {  	v14 =	vld [tilespmem:s17+$0x0];
	v9 =	vadd.s32 v11, v10;
	v10 =	vsel vm0, $0x1, v0;
	vm0 =	vge.s32 v7, v2  }
0x24: {  	s16 =	sadd.s32 $0x8, s16;
	v7 =	vld [tilespmem:s17+$0xFFFFFFF0];
	v9 =	vadd.s32 v10, v9;
	v10 =	vsel vm0, $0x1, v0;
	vm0 =	vge.s32 v8, v2  }
0x25: {  	p0 =	slt.u32 s16, $0xF8;
	v8 =	vld [tilespmem:s17+$0xFFFFFFC0];
	v10 =	vadd.s32 v10, v9;
	v11 =	vsel vm0, $0x1, v0;
	vm0 =	vge.s32 v6, v2  }
.Ltmp1:
0x26: {  	v9 =	vld [tilespmem:s17+$0xFFFFFFD0];
	v6 =	vadd.s32 v11, v10;
	v11 =	vsel vm0, $0x1, v0;
	vm0 =	vge.s32 v5, v2;
	(pc) =	sbr.rel @p0 .LBB2_4-.Ltmp1, $4  }
0x27: {  	v10 =	vld [tilespmem:s17+$0xFFFFFFE0];
	v5 =	vadd.s32 v11, v6;
	v6 =	vsel vm0, $0x1, v0;
	vm0 =	vge.s32 v3, v2  }
0x28: {  	v6 =	vadd.s32 v6, v5;
	v11 =	vsel vm0, $0x1, v0  }
0x29: {  	v3 =	vshra.s32 v13, v4;
	v5 =	vshra.s32 v12, v4;
	v11 =	vadd.s32 v11, v6  }
0x2a: {  	s17 =	sadd.s32 $0x80, s17;
	v6 =	vshra.s32 v15, v4;
	v12 =	vshra.s32 v8, v4;
	v8 =	vshra.s32 v14, v4  }
0x2b: {  	vm0 =	vge.s32 v12, v2;
	v9 =	vshra.s32 v9, v4;
	v7 =	vshra.s32 v7, v4  }
0x2c: {  	v12 =	vsel vm0, $0x1, v0;
	vm9 =	vge.s32 v9, v2;
	v58 =	vshra.s32 v10, v4  }
0x2d: {  	v59 =	vadd.s32 v12, v11;
	v60 =	vsel vm9, $0x1, v0;
	vm10 =	vge.s32 v58, v2  }
0x2e: {  	vm11 =	vge.s32 v7, v2;
	v61 =	vadd.s32 v60, v59;
	v62 =	vsel vm10, $0x1, v0  }
0x2f: {  	vm12 =	vge.s32 v8, v2;
	v7 =	vsel vm11, $0x1, v0;
	v4 =	vadd.s32 v62, v61  }
0x30: {  	vm13 =	vge.s32 v6, v2;
	v63 =	vsel vm12, $0x1, v0;
	v4 =	vadd.s32 v7, v4  }
0x31: {  	vm14 =	vge.s32 v5, v2;
	v6 =	vsel vm13, $0x1, v0;
	v4 =	vadd.s32 v63, v4  }
0x32: {  	vm15 =	vge.s32 v3, v2;
	v5 =	vsel vm14, $0x1, v0;
	v4 =	vadd.s32 v6, v4  }
0x33: {  	v3 =	vsel vm15, $0x1, v0;
	v2 =	vadd.s32 v5, v4  }
0x34: {  	v2 =	vadd.s32 v3, v2  }
0x35: {  	(v2sf) =	vpush v2, $0x0  }
0x36: {  	(v2sf) =	vpush v2, $0x1  }
0x37: {  	(v2sf) =	vpush v2, $0x2  }
0x38: {  	(v2sf) =	vpush v2, $0x3  }
0x39: {  	(v2sf) =	vpush v2, $0x4  }
0x3a: {  	(v2sf) =	vpush v2, $0x5  }
0x3b: {  	(v2sf) =	vpush v2, $0x6  }
0x3c: {  	(v2sf) =	vpush v2, $0x7  }
0x3d: {  	(v2sf) =	vpush v2, $0x8  }
0x3e: {  	(v2sf) =	vpush v2, $0x9  }
0x3f: {  	(v2sf) =	vpush v2, $0xA  }
0x40: {  	(v2sf) =	vpush v2, $0xB  }
0x41: {  	(v2sf) =	vpush v2, $0xC  }
0x42: {  	(v2sf) =	vpush v2, $0xD  }
0x43: {  	(v2sf) =	vpush v2, $0xE  }
0x44: {  	s16 =	spop (v2sf);
	(v2sf) =	vpush v2, $0xF  }
0x45: {  	s17 =	spop (v2sf)  }
0x46: {  	s16 =	sadd.s32 s17, s16;
	s31 =	spop (v2sf)  }
0x47: {  	s16 =	sadd.s32 s31, s16;
	s18 =	spop (v2sf)  }
0x48: {  	s16 =	sadd.s32 s18, s16;
	s19 =	spop (v2sf)  }
0x49: {  	s16 =	sadd.s32 s19, s16;
	s20 =	spop (v2sf)  }
0x4a: {  	s16 =	sadd.s32 s20, s16;
	s21 =	spop (v2sf)  }
0x4b: {  	s16 =	sadd.s32 s21, s16;
	s22 =	spop (v2sf)  }
0x4c: {  	s16 =	sadd.s32 s22, s16;
	s23 =	spop (v2sf)  }
0x4d: {  	s16 =	sadd.s32 s23, s16;
	s24 =	spop (v2sf)  }
0x4e: {  	s16 =	sadd.s32 s24, s16;
	s25 =	spop (v2sf)  }
0x4f: {  	s16 =	sadd.s32 s25, s16;
	s26 =	spop (v2sf)  }
0x50: {  	s14 =	sadd.s32 $0x1, s14;
	s16 =	sadd.s32 s26, s16;
	s28 =	spop (v2sf)  }
0x51: {  	p1 =	seq.s32 s14, $0x1F;
	s16 =	sadd.s32 s28, s16;
	s29 =	spop (v2sf)  }
.Ltmp2:
0x52: {  	s16 =	sadd.s32 s29, s16;
	s30 =	spop (v2sf);
	(pc) =	sbr.rel @!p1 .LBB2_3-.Ltmp2, $4  }
0x53: {  	s16 =	sadd.s32 s30, s16;
	s31 =	spop (v2sf)  }
0x54: {  	s16 =	sadd.s32 s31, s16  }
0x55: {  	p0 =	sgt.s32 s16, $0x7FF  }
0x56: {  	s13 =	smov.u32 @p0 s15  }
0x57: {  	s31 =	simm.s32 $0x40  }
0x58: {  	v4 =	vld [tilespmem:s31+$0x30]  }
0x59: {  	v5 =	vld [tilespmem:s31+$0x20]  }
0x5a: {  	v6 =	vld [tilespmem:s31+$0x10]  }
0x5b: {  	v7 =	vld [tilespmem:s31+$0x0]  }
0x5c: {  	v8 =	vld [tilespmem:s31+$0xFFFFFFF0]  }
0x5d: {  	v9 =	vld [tilespmem:s31+$0xFFFFFFE0]  }
0x5e: {  	v10 =	vld [tilespmem:s31+$0xFFFFFFD0]  }
0x5f: {  	v2 =	vmov s13;
	v11 =	vld [tilespmem:s31+$0xFFFFFFC0]  }
0x60: {  	v3 =	vimm.s32 $0x0;
	vm7 =	vgt.s32 v4, v2;
	vm8 =	vgt.s32 v5, v2  }
0x61: {  	vm1 =	veq.s32 v5, v2;
	vm0 =	veq.s32 v4, v2;
	vm9 =	vgt.s32 v7, v2  }
0x62: {  	vm10 =	vgt.s32 v6, v2;
	vm2 =	veq.s32 v6, v2;
	vm11 =	vgt.s32 v8, v2  }
0x63: {  	vm4 =	veq.s32 v8, v2;
	vm3 =	veq.s32 v7, v2;
	vm12 =	vgt.s32 v10, v2  }
0x64: {  	vm13 =	vgt.s32 v9, v2;
	vm5 =	veq.s32 v9, v2;
	vm14 =	vgt.s32 v11, v2  }
0x65: {  	vm15 =	veq.s32 v11, v2;
	vm6 =	veq.s32 v10, v2;
	v6 =	vimm.s32 $0x0  }
0x66: {  	v7 =	vsel vm10, $0x1, v0;
	v5 =	vsel vm8, $0x1, v0;
	v4 =	vsel vm7, $0x1, v0  }
0x67: {  	v10 =	vsel vm13, $0x1, v0;
	v9 =	vsel vm11, $0x1, v0;
	v8 =	vsel vm9, $0x1, v0  }
0x68: {  	s13 =	simm.s32 $0x0;
	s14 =	simm.s32 $0xC0;
	v13 =	vsel vm14, $0x1, v0;
	v11 =	vsel vm15, $0x1, v0;
	v12 =	vsel vm12, $0x1, v0  }
.LBB2_7:
0x69: {  	v14 =	vld [tilespmem:s14+$0x30];
	v3 =	vadd.s32 v13, v3;
	v6 =	vadd.s32 v11, v6;
	v11 =	vsel vm6, $0x1, v0  }
0x6a: {  	v13 =	vld [tilespmem:s14+$0x20];
	v3 =	vadd.s32 v12, v3;
	v6 =	vadd.s32 v11, v6;
	v11 =	vsel vm5, $0x1, v0  }
0x6b: {  	v12 =	vld [tilespmem:s14+$0x10];
	v3 =	vadd.s32 v10, v3;
	v6 =	vadd.s32 v11, v6;
	v10 =	vsel vm4, $0x1, v0  }
0x6c: {  	v11 =	vld [tilespmem:s14+$0x0];
	v3 =	vadd.s32 v9, v3;
	v6 =	vadd.s32 v10, v6;
	v9 =	vsel vm3, $0x1, v0  }
0x6d: {  	v10 =	vld [tilespmem:s14+$0xFFFFFFF0];
	v3 =	vadd.s32 v8, v3;
	v6 =	vadd.s32 v9, v6;
	v8 =	vsel vm2, $0x1, v0  }
0x6e: {  	v9 =	vld [tilespmem:s14+$0xFFFFFFE0];
	v3 =	vadd.s32 v7, v3;
	v6 =	vadd.s32 v8, v6;
	v7 =	vsel vm1, $0x1, v0  }
0x6f: {  	v8 =	vld [tilespmem:s14+$0xFFFFFFD0];
	v3 =	vadd.s32 v5, v3;
	v5 =	vadd.s32 v7, v6;
	v6 =	vsel vm0, $0x1, v0  }
0x70: {  	vm7 =	vgt.s32 v14, v2;
	v7 =	vld [tilespmem:s14+$0xFFFFFFC0];
	v3 =	vadd.s32 v4, v3;
	v6 =	vadd.s32 v6, v5  }
0x71: {  	vm8 =	vgt.s32 v13, v2;
	vm1 =	veq.s32 v13, v2;
	vm0 =	veq.s32 v14, v2  }
0x72: {  	s13 =	sadd.s32 $0x8, s13;
	vm10 =	vgt.s32 v12, v2;
	vm2 =	veq.s32 v12, v2;
	vm9 =	vgt.s32 v11, v2  }
0x73: {  	p0 =	slt.u32 s13, $0xF8;
	vm3 =	veq.s32 v11, v2;
	vm11 =	vgt.s32 v10, v2;
	vm4 =	veq.s32 v10, v2  }
.Ltmp3:
0x74: {  	vm13 =	vgt.s32 v9, v2;
	vm5 =	veq.s32 v9, v2;
	vm12 =	vgt.s32 v8, v2;
	(pc) =	sbr.rel @p0 .LBB2_7-.Ltmp3, $4  }
0x75: {  	vm6 =	veq.s32 v8, v2;
	vm14 =	vgt.s32 v7, v2;
	vm15 =	veq.s32 v7, v2  }
0x76: {  	v5 =	vsel vm8, $0x1, v0;
	v4 =	vsel vm7, $0x1, v0;
	v7 =	vsel vm10, $0x1, v0  }
0x77: {  	v9 =	vsel vm11, $0x1, v0;
	v10 =	vsel vm13, $0x1, v0;
	v8 =	vsel vm9, $0x1, v0  }
0x78: {  	s14 =	sadd.s32 $0x80, s14;
	v12 =	vsel vm12, $0x1, v0;
	v13 =	vsel vm14, $0x1, v0;
	v11 =	vsel vm15, $0x1, v0  }
0x79: {  	v3 =	vadd.s32 v13, v3  }
0x7a: {  	v3 =	vadd.s32 v12, v3  }
0x7b: {  	v3 =	vadd.s32 v10, v3  }
0x7c: {  	v3 =	vadd.s32 v9, v3  }
0x7d: {  	v3 =	vadd.s32 v8, v3  }
0x7e: {  	v3 =	vadd.s32 v7, v3  }
0x7f: {  	v3 =	vadd.s32 v5, v3  }
0x80: {  	v3 =	vadd.s32 v4, v3  }
0x81: {  	(v2sf) =	vpush v3, $0x0  }
0x82: {  	(v2sf) =	vpush v3, $0x1  }
0x83: {  	(v2sf) =	vpush v3, $0x2  }
0x84: {  	(v2sf) =	vpush v3, $0x3  }
0x85: {  	(v2sf) =	vpush v3, $0x4  }
0x86: {  	(v2sf) =	vpush v3, $0x5  }
0x87: {  	(v2sf) =	vpush v3, $0x6  }
0x88: {  	(v2sf) =	vpush v3, $0x7  }
0x89: {  	v56 =	vadd.s32 v11, v6;
	v57 =	vsel vm6, $0x1, v0;
	(v2sf) =	vpush v3, $0x8  }
0x8a: {  	v58 =	vsel vm5, $0x1, v0;
	v4 =	vadd.s32 v57, v56;
	(v2sf) =	vpush v3, $0x9  }
0x8b: {  	v59 =	vsel vm4, $0x1, v0;
	v4 =	vadd.s32 v58, v4;
	(v2sf) =	vpush v3, $0xA  }
0x8c: {  	v60 =	vsel vm3, $0x1, v0;
	v4 =	vadd.s32 v59, v4;
	(v2sf) =	vpush v3, $0xB  }
0x8d: {  	v61 =	vsel vm2, $0x1, v0;
	v4 =	vadd.s32 v60, v4;
	(v2sf) =	vpush v3, $0xC  }
0x8e: {  	v62 =	vsel vm1, $0x1, v0;
	v4 =	vadd.s32 v61, v4;
	(v2sf) =	vpush v3, $0xD  }
0x8f: {  	v63 =	vsel vm0, $0x1, v0;
	v4 =	vadd.s32 v62, v4;
	(v2sf) =	vpush v3, $0xE  }
0x90: {  	v4 =	vadd.s32 v63, v4;
	s13 =	spop (v2sf);
	(v2sf) =	vpush v3, $0xF  }
0x91: {  	s14 =	spop (v2sf);
	(v2sf) =	vpush v4, $0x0  }
0x92: {  	s15 =	spop (v2sf);
	(v2sf) =	vpush v4, $0x1  }
0x93: {  	s16 =	spop (v2sf);
	(v2sf) =	vpush v4, $0x2  }
0x94: {  	s17 =	spop (v2sf);
	(v2sf) =	vpush v4, $0x3  }
0x95: {  	s18 =	spop (v2sf);
	(v2sf) =	vpush v4, $0x4  }
0x96: {  	s19 =	spop (v2sf);
	(v2sf) =	vpush v4, $0x5  }
0x97: {  	s20 =	spop (v2sf);
	(v2sf) =	vpush v4, $0x6  }
0x98: {  	s21 =	spop (v2sf);
	(v2sf) =	vpush v4, $0x7  }
0x99: {  	s22 =	spop (v2sf);
	(v2sf) =	vpush v4, $0x8  }
0x9a: {  	s23 =	spop (v2sf);
	(v2sf) =	vpush v4, $0x9  }
0x9b: {  	s24 =	spop (v2sf);
	(v2sf) =	vpush v4, $0xA  }
0x9c: {  	s25 =	spop (v2sf);
	(v2sf) =	vpush v4, $0xB  }
0x9d: {  	s26 =	spop (v2sf);
	(v2sf) =	vpush v4, $0xC  }
0x9e: {  	s28 =	spop (v2sf);
	(v2sf) =	vpush v4, $0xD  }
0x9f: {  	s29 =	spop (v2sf);
	(v2sf) =	vpush v4, $0xE  }
0xa0: {  	s30 =	spop (v2sf);
	(v2sf) =	vpush v4, $0xF  }
0xa1: {  	s13 =	sadd.s32 s13, s14;
	s31 =	spop (v2sf)  }
0xa2: {  	s13 =	sadd.s32 s15, s13;
	s14 =	spop (v2sf);
	s30 =	sadd.s32 s31, s30  }
0xa3: {  	s13 =	sadd.s32 s16, s13;
	s15 =	spop (v2sf);
	s14 =	sadd.s32 s14, s30  }
0xa4: {  	s13 =	sadd.s32 s17, s13;
	s31 =	spop (v2sf);
	s14 =	sadd.s32 s15, s14  }
0xa5: {  	s13 =	sadd.s32 s18, s13;
	s17 =	spop (v2sf);
	s14 =	sadd.s32 s31, s14  }
0xa6: {  	s13 =	sadd.s32 s19, s13;
	s18 =	spop (v2sf);
	s14 =	sadd.s32 s17, s14  }
0xa7: {  	s13 =	sadd.s32 s20, s13;
	s19 =	spop (v2sf);
	s14 =	sadd.s32 s18, s14  }
0xa8: {  	s13 =	sadd.s32 s21, s13;
	s20 =	spop (v2sf);
	s14 =	sadd.s32 s19, s14  }
0xa9: {  	s13 =	sadd.s32 s22, s13;
	s21 =	spop (v2sf);
	s14 =	sadd.s32 s20, s14  }
0xaa: {  	s13 =	sadd.s32 s23, s13;
	s22 =	spop (v2sf);
	s14 =	sadd.s32 s21, s14  }
0xab: {  	s13 =	sadd.s32 s24, s13;
	s23 =	spop (v2sf);
	s14 =	sadd.s32 s22, s14  }
0xac: {  	s13 =	sadd.s32 s25, s13;
	s24 =	spop (v2sf);
	s14 =	sadd.s32 s23, s14  }
0xad: {  	s13 =	sadd.s32 s26, s13;
	s25 =	spop (v2sf);
	s14 =	sadd.s32 s24, s14  }
0xae: {  	s13 =	sadd.s32 s28, s13;
	s30 =	spop (v2sf);
	s14 =	sadd.s32 s25, s14  }
0xaf: {  	s13 =	sadd.s32 s29, s13;
	s14 =	sadd.s32 s30, s14;
	s31 =	spop (v2sf)  }
0xb0: {  	s15 =	sadd.s32 s31, s14;
	s14 =	ssub.s32 $0x800, s13  }
0xb1: {  	p0 =	seq.s32 s15, s14  }
.Ltmp4:
0xb2: {  	_ = 	snop;
	(pc) =	sbr.rel @p0 .LBB2_12-.Ltmp4, $2  }
0xb3: {  	_ =	sdelay $0x2  }
0xb4: {  	s13 =	simm.s32 $0x0;
	s15 =	simm.s32 $0x0  }
.LBB2_9:
0xb5: {  	s17 =	ssub.s32 $0xB, s15;
	s16 =	sshrl.u32 s11, s15;
	s19 =	simm.s32 $0x40  }
0xb6: {  	s18 =	simm.s32 $0xF8F;
	v7 =	vimm.s32 $0x0;
	s29 =	simm.s32 $0xFBF;
	s30 =	simm.s32 $0xFAF;
	v3 =	vmov s17;
	v5 =	vld [tilespmem:s19+$0x30]  }
0xb7: {  	s20 =	simm.s32 $0xF9F;
	s21 =	simm.s32 $0xFEF;
	s22 =	simm.s32 $0xFDF;
	v6 =	vadd.s32 s18, v1;
	v8 =	vld [tilespmem:s19+$0x20];
	v9 =	vadd.s32 s29, v1;
	v11 =	vadd.s32 s30, v1  }
0xb8: {  	s23 =	simm.s32 $0xFCF;
	s31 =	simm.s32 $0xFFF;
	s16 =	sor.u32 s16, s13;
	v10 =	vld [tilespmem:s19+$0x10];
	v12 =	vadd.s32 s20, v1;
	v13 =	vadd.s32 s21, v1;
	v14 =	vadd.s32 s22, v1  }
0xb9: {  	v15 =	vadd.s32 s23, v1;
	v16 =	vld [tilespmem:s19+$0x0];
	v17 =	vadd.s32 s31, v1;
	s17 =	sshrl.u32 s16, s17;
	v6 =	vshra.s32 v6, v3  }
0xba: {  	v18 =	vld [tilespmem:s19+$0xFFFFFFF0];
	v12 =	vshra.s32 v12, v3;
	v15 =	vshra.s32 v15, v3;
	v4 =	vmov s17  }
0xbb: {  	v9 =	vshra.s32 v9, v3;
	v11 =	vshra.s32 v11, v3;
	vm0 =	vge.s32 v6, v4;
	v6 =	vld [tilespmem:s19+$0xFFFFFFC0]  }
0xbc: {  	v19 =	vld [tilespmem:s19+$0xFFFFFFD0];
	v17 =	vshra.s32 v17, v3;
	v13 =	vshra.s32 v13, v3;
	v14 =	vshra.s32 v14, v3  }
0xbd: {  	v20 =	vld [tilespmem:s19+$0xFFFFFFE0];
	vm1 =	vge.s32 v9, v4;
	vm2 =	vge.s32 v11, v4;
	vm3 =	vge.s32 v12, v4  }
0xbe: {  	vm4 =	vge.s32 v13, v4;
	vm5 =	vge.s32 v14, v4;
	vm6 =	vge.s32 v15, v4  }
0xbf: {  	vm7 =	vge.s32 v17, v4;
	vm8 =	veq.s32 v8, v2;
	vm9 =	veq.s32 v5, v2  }
0xc0: {  	vm11 =	veq.s32 v16, v2;
	vm12 =	veq.s32 v10, v2;
	vm10 =	veq.s32 v6, v2  }
0xc1: {  	vm13 =	veq.s32 v18, v2;
	vm7 =	vmand vm7, vm10;
	vm10 =	veq.s32 v19, v2  }
0xc2: {  	v5 =	vsel vm7, $0x1, v0;
	vm4 =	vmand vm4, vm10;
	vm10 =	veq.s32 v20, v2  }
0xc3: {  	v5 =	vadd.s32 v5, v7;
	v6 =	vsel vm4, $0x1, v0;
	vm14 =	vmand vm5, vm10  }
0xc4: {  	vm15 =	vmand vm6, vm13;
	v5 =	vadd.s32 v6, v5;
	v6 =	vsel vm14, $0x1, v0  }
0xc5: {  	vm1 =	vmand vm1, vm11;
	v5 =	vadd.s32 v6, v5;
	v6 =	vsel vm15, $0x1, v0  }
0xc6: {  	v5 =	vadd.s32 v6, v5;
	v6 =	vsel vm1, $0x1, v0;
	vm1 =	vmand vm2, vm12  }
0xc7: {  	v5 =	vadd.s32 v6, v5;
	v6 =	vsel vm1, $0x1, v0;
	vm1 =	vmand vm3, vm8  }
0xc8: {  	s18 =	simm.s32 $0xF0F;
	s17 =	simm.s32 $0x0;
	s19 =	simm.s32 $0xC0;
	vm0 =	vmand vm0, vm9;
	v5 =	vadd.s32 v6, v5;
	v6 =	vsel vm1, $0x1, v0  }
.LBB2_10:
0xc9: {  	v7 =	vld [tilespmem:s19+$0x30];
	v8 =	vadd.s32 s18, v1;
	v5 =	vadd.s32 v6, v5;
	v6 =	vsel vm0, $0x1, v0  }
0xca: {  	s20 =	sadd.s32 $0x30, s18;
	s21 =	sadd.s32 $0x20, s18;
	s22 =	sadd.s32 $0x10, s18;
	v9 =	vld [tilespmem:s19+$0x20];
	v8 =	vshra.s32 v8, v3;
	v5 =	vadd.s32 v6, v5  }
0xcb: {  	s23 =	sadd.s32 $0x60, s18;
	s24 =	sadd.s32 $0x50, s18;
	s25 =	sadd.s32 $0x40, s18;
	v6 =	vadd.s32 s20, v1;
	v11 =	vadd.s32 s21, v1;
	v12 =	vadd.s32 s22, v1;
	v10 =	vld [tilespmem:s19+$0x10]  }
0xcc: {  	s20 =	sadd.s32 $0x70, s18;
	v13 =	vadd.s32 s23, v1;
	v14 =	vadd.s32 s24, v1;
	v15 =	vadd.s32 s25, v1;
	v16 =	vld [tilespmem:s19+$0x0]  }
0xcd: {  	v17 =	vadd.s32 s20, v1;
	v12 =	vshra.s32 v12, v3;
	vm0 =	vge.s32 v8, v4;
	v18 =	vld [tilespmem:s19+$0xFFFFFFF0]  }
0xce: {  	s17 =	sadd.s32 $0x8, s17;
	v15 =	vshra.s32 v15, v3;
	v6 =	vshra.s32 v6, v3;
	v11 =	vshra.s32 v11, v3;
	v8 =	vld [tilespmem:s19+$0xFFFFFFC0]  }
0xcf: {  	p0 =	slt.u32 s17, $0xF8;
	v13 =	vshra.s32 v13, v3;
	v14 =	vshra.s32 v14, v3;
	v17 =	vshra.s32 v17, v3;
	v19 =	vld [tilespmem:s19+$0xFFFFFFD0]  }
0xd0: {  	vm4 =	vge.s32 v6, v4;
	vm2 =	vge.s32 v11, v4;
	vm1 =	vge.s32 v12, v4;
	v20 =	vld [tilespmem:s19+$0xFFFFFFE0]  }
0xd1: {  	vm6 =	vge.s32 v13, v4;
	vm7 =	vge.s32 v14, v4;
	vm8 =	vge.s32 v15, v4  }
0xd2: {  	vm9 =	vge.s32 v17, v4;
	vm3 =	veq.s32 v7, v2;
	vm5 =	veq.s32 v9, v2  }
0xd3: {  	vm12 =	veq.s32 v10, v2;
	vm11 =	veq.s32 v16, v2;
	vm10 =	veq.s32 v8, v2  }
0xd4: {  	vm13 =	veq.s32 v18, v2;
	vm9 =	vmand vm9, vm10;
	vm10 =	veq.s32 v19, v2  }
0xd5: {  	v6 =	vsel vm9, $0x1, v0;
	vm6 =	vmand vm6, vm10;
	vm9 =	veq.s32 v20, v2  }
0xd6: {  	v5 =	vadd.s32 v6, v5;
	v6 =	vsel vm6, $0x1, v0;
	vm6 =	vmand vm7, vm9  }
.Ltmp5:
0xd7: {  	v5 =	vadd.s32 v6, v5;
	v6 =	vsel vm6, $0x1, v0;
	vm6 =	vmand vm8, vm13;
	(pc) =	sbr.rel @p0 .LBB2_10-.Ltmp5, $4  }
0xd8: {  	vm4 =	vmand vm4, vm11;
	v5 =	vadd.s32 v6, v5;
	v6 =	vsel vm6, $0x1, v0  }
0xd9: {  	vm2 =	vmand vm2, vm12;
	v5 =	vadd.s32 v6, v5;
	v6 =	vsel vm4, $0x1, v0  }
0xda: {  	vm1 =	vmand vm1, vm5;
	v5 =	vadd.s32 v6, v5;
	v6 =	vsel vm2, $0x1, v0  }
0xdb: {  	s18 =	sadd.s32 $0xFFFFFF80, s18;
	vm0 =	vmand vm0, vm3;
	s19 =	sadd.s32 $0x80, s19;
	v5 =	vadd.s32 v6, v5;
	v6 =	vsel vm1, $0x1, v0  }
0xdc: {  	v3 =	vadd.s32 v6, v5;
	v4 =	vsel vm0, $0x1, v0  }
0xdd: {  	v3 =	vadd.s32 v4, v3  }
0xde: {  	(v2sf) =	vpush v3, $0x0  }
0xdf: {  	(v2sf) =	vpush v3, $0x1  }
0xe0: {  	(v2sf) =	vpush v3, $0x2  }
0xe1: {  	(v2sf) =	vpush v3, $0x3  }
0xe2: {  	(v2sf) =	vpush v3, $0x4  }
0xe3: {  	(v2sf) =	vpush v3, $0x5  }
0xe4: {  	(v2sf) =	vpush v3, $0x6  }
0xe5: {  	(v2sf) =	vpush v3, $0x7  }
0xe6: {  	(v2sf) =	vpush v3, $0x8  }
0xe7: {  	(v2sf) =	vpush v3, $0x9  }
0xe8: {  	(v2sf) =	vpush v3, $0xA  }
0xe9: {  	(v2sf) =	vpush v3, $0xB  }
0xea: {  	(v2sf) =	vpush v3, $0xC  }
0xeb: {  	(v2sf) =	vpush v3, $0xD  }
0xec: {  	(v2sf) =	vpush v3, $0xE  }
0xed: {  	s17 =	spop (v2sf);
	(v2sf) =	vpush v3, $0xF  }
0xee: {  	s18 =	spop (v2sf)  }
0xef: {  	s17 =	sadd.s32 s18, s17;
	s30 =	spop (v2sf)  }
0xf0: {  	s17 =	sadd.s32 s30, s17;
	s31 =	spop (v2sf)  }
0xf1: {  	s17 =	sadd.s32 s31, s17;
	s19 =	spop (v2sf)  }
0xf2: {  	s17 =	sadd.s32 s19, s17;
	s20 =	spop (v2sf)  }
0xf3: {  	s17 =	sadd.s32 s20, s17;
	s21 =	spop (v2sf)  }
0xf4: {  	s17 =	sadd.s32 s21, s17;
	s22 =	spop (v2sf)  }
0xf5: {  	s17 =	sadd.s32 s22, s17;
	s23 =	spop (v2sf)  }
0xf6: {  	s17 =	sadd.s32 s23, s17;
	s24 =	spop (v2sf)  }
0xf7: {  	s17 =	sadd.s32 s24, s17;
	s25 =	spop (v2sf)  }
0xf8: {  	s17 =	sadd.s32 s25, s17;
	s26 =	spop (v2sf)  }
0xf9: {  	s17 =	sadd.s32 s26, s17;
	s28 =	spop (v2sf)  }
0xfa: {  	s17 =	sadd.s32 s28, s17;
	s29 =	spop (v2sf)  }
0xfb: {  	s17 =	sadd.s32 s29, s17;
	s30 =	spop (v2sf)  }
0xfc: {  	s17 =	sadd.s32 s30, s17;
	s31 =	spop (v2sf)  }
0xfd: {  	s17 =	sadd.s32 s31, s17  }
0xfe: {  	s15 =	sadd.s32 $0x1, s15;
	p0 =	slt.s32 s17, s14  }
0xff: {  	s16 =	smov.u32 @p0 s13;
	p0 =	sne.s32 s15, $0xC  }
.Ltmp6:
0x100: {  	_ = 	snop;
	(pc) =	sbr.rel @p0 .LBB2_9-.Ltmp6, $2  }
0x101: {  	_ =	sdelay $0x2  }
0x102: {  	s13 =	smov.u32 s16  }
.LBB2_12:
0x103: {  	s15 =	simm.s32 $0x40  }
0x104: {  	v4 =	vld [tilespmem:s15+$0xFFFFFFC0];
	_ =	sdelay $0x2  }
0x105: {  	s14 =	simm.s32 $0xFFF  }
0x106: {  	v3 =	vmov s13;
	v5 =	vadd.s32 s14, v1  }
0x107: {  	vm1 =	vge.s32 v5, v3;
	vm0 =	veq.s32 v4, v2  }
0x108: {  	vm2 =	vgt.s32 v4, v2;
	vm0 =	vmand vm1, vm0  }
0x109: {  	vm0 =	vmor vm2, vm0  }
0x10a: {  	s16 =	simm.s32 $0x2040;
	v4 =	vsel vm0, $0x1, v0  }
0x10b: {  	[tilespmem:s16+$0xFFFFFFC0] =	vst v4  }
0x10c: {  	v4 =	vld [tilespmem:s15+$0xFFFFFFC0];
	_ =	sdelay $0x4  }
0x10d: {  	s13 =	simm.s32 $0x1040;
	v4 =	vnsel vm0, $0x0, v4  }
0x10e: {  	[tilespmem:s13+$0xFFFFFFC0] =	vst v4  }
0x10f: {  	v4 =	vld [tilespmem:s15+$0xFFFFFFD0];
	_ =	sdelay $0x2  }
0x110: {  	s25 =	simm.s32 $0xFEF  }
0x111: {  	v5 =	vadd.s32 s25, v1  }
0x112: {  	vm8 =	vge.s32 v5, v3;
	vm7 =	veq.s32 v4, v2  }
0x113: {  	vm9 =	vgt.s32 v4, v2;
	vm0 =	vmand vm8, vm7  }
0x114: {  	vm0 =	vmor vm9, vm0  }
0x115: {  	v4 =	vsel vm0, $0x1, v0  }
0x116: {  	[tilespmem:s16+$0xFFFFFFD0] =	vst v4  }
0x117: {  	v4 =	vld [tilespmem:s15+$0xFFFFFFD0];
	_ =	sdelay $0x4  }
0x118: {  	v4 =	vnsel vm0, $0x0, v4  }
0x119: {  	[tilespmem:s13+$0xFFFFFFD0] =	vst v4  }
0x11a: {  	v4 =	vld [tilespmem:s15+$0xFFFFFFE0];
	_ =	sdelay $0x2  }
0x11b: {  	s26 =	simm.s32 $0xFDF  }
0x11c: {  	v5 =	vadd.s32 s26, v1  }
0x11d: {  	vm11 =	vge.s32 v5, v3;
	vm10 =	veq.s32 v4, v2  }
0x11e: {  	vm12 =	vgt.s32 v4, v2;
	vm0 =	vmand vm11, vm10  }
0x11f: {  	vm0 =	vmor vm12, vm0  }
0x120: {  	v4 =	vsel vm0, $0x1, v0  }
0x121: {  	[tilespmem:s16+$0xFFFFFFE0] =	vst v4  }
0x122: {  	v4 =	vld [tilespmem:s15+$0xFFFFFFE0];
	_ =	sdelay $0x4  }
0x123: {  	v4 =	vnsel vm0, $0x0, v4  }
0x124: {  	[tilespmem:s13+$0xFFFFFFE0] =	vst v4  }
0x125: {  	v4 =	vld [tilespmem:s15+$0xFFFFFFF0];
	_ =	sdelay $0x2  }
0x126: {  	s28 =	simm.s32 $0xFCF  }
0x127: {  	v5 =	vadd.s32 s28, v1  }
0x128: {  	vm14 =	vge.s32 v5, v3;
	vm13 =	veq.s32 v4, v2  }
0x129: {  	vm15 =	vgt.s32 v4, v2;
	vm0 =	vmand vm14, vm13  }
0x12a: {  	vm0 =	vmor vm15, vm0  }
0x12b: {  	v4 =	vsel vm0, $0x1, v0  }
0x12c: {  	[tilespmem:s16+$0xFFFFFFF0] =	vst v4  }
0x12d: {  	v4 =	vld [tilespmem:s15+$0xFFFFFFF0];
	_ =	sdelay $0x4  }
0x12e: {  	v4 =	vnsel vm0, $0x0, v4  }
0x12f: {  	[tilespmem:s13+$0xFFFFFFF0] =	vst v4  }
0x130: {  	v4 =	vld [tilespmem:s15+$0x0];
	_ =	sdelay $0x2  }
0x131: {  	s29 =	simm.s32 $0xFBF  }
0x132: {  	v5 =	vadd.s32 s29, v1  }
0x133: {  	vm5 =	vge.s32 v5, v3;
	vm4 =	veq.s32 v4, v2  }
0x134: {  	vm6 =	vgt.s32 v4, v2;
	vm0 =	vmand vm5, vm4  }
0x135: {  	vm0 =	vmor vm6, vm0  }
0x136: {  	v4 =	vsel vm0, $0x1, v0  }
0x137: {  	[tilespmem:s16+$0x0] =	vst v4  }
0x138: {  	v4 =	vld [tilespmem:s15+$0x0];
	_ =	sdelay $0x4  }
0x139: {  	v4 =	vnsel vm0, $0x0, v4  }
0x13a: {  	[tilespmem:s13+$0x0] =	vst v4  }
0x13b: {  	v4 =	vld [tilespmem:s15+$0x10];
	_ =	sdelay $0x2  }
0x13c: {  	s30 =	simm.s32 $0xFAF  }
0x13d: {  	v5 =	vadd.s32 s30, v1  }
0x13e: {  	vm8 =	vge.s32 v5, v3;
	vm7 =	veq.s32 v4, v2  }
0x13f: {  	vm9 =	vgt.s32 v4, v2;
	vm0 =	vmand vm8, vm7  }
0x140: {  	vm0 =	vmor vm9, vm0  }
0x141: {  	v4 =	vsel vm0, $0x1, v0  }
0x142: {  	[tilespmem:s16+$0x10] =	vst v4  }
0x143: {  	v4 =	vld [tilespmem:s15+$0x10];
	_ =	sdelay $0x4  }
0x144: {  	v4 =	vnsel vm0, $0x0, v4  }
0x145: {  	[tilespmem:s13+$0x10] =	vst v4  }
0x146: {  	v4 =	vld [tilespmem:s15+$0x20];
	_ =	sdelay $0x2  }
0x147: {  	s31 =	simm.s32 $0xF9F  }
0x148: {  	v5 =	vadd.s32 s31, v1  }
0x149: {  	vm11 =	vge.s32 v5, v3;
	vm10 =	veq.s32 v4, v2  }
0x14a: {  	vm12 =	vgt.s32 v4, v2;
	vm0 =	vmand vm11, vm10  }
0x14b: {  	vm0 =	vmor vm12, vm0  }
0x14c: {  	v4 =	vsel vm0, $0x1, v0  }
0x14d: {  	[tilespmem:s16+$0x20] =	vst v4  }
0x14e: {  	v4 =	vld [tilespmem:s15+$0x20];
	_ =	sdelay $0x4  }
0x14f: {  	v4 =	vnsel vm0, $0x0, v4  }
0x150: {  	[tilespmem:s13+$0x20] =	vst v4  }
0x151: {  	v4 =	vld [tilespmem:s15+$0x30];
	_ =	sdelay $0x2  }
0x152: {  	s14 =	simm.s32 $0xF8F  }
0x153: {  	v5 =	vadd.s32 s14, v1  }
0x154: {  	vm14 =	vge.s32 v5, v3;
	vm13 =	veq.s32 v4, v2  }
0x155: {  	vm15 =	vgt.s32 v4, v2;
	vm0 =	vmand vm14, vm13  }
0x156: {  	vm0 =	vmor vm15, vm0  }
0x157: {  	v4 =	vsel vm0, $0x1, v0  }
0x158: {  	[tilespmem:s16+$0x30] =	vst v4  }
0x159: {  	v4 =	vld [tilespmem:s15+$0x30];
	_ =	sdelay $0x4  }
0x15a: {  	s17 =	simm.s32 $0xC0;
	s16 =	simm.s32 $0x20C0;
	s15 =	simm.s32 $0x0;
	v4 =	vnsel vm0, $0x0, v4  }
.LBB2_13:
0x15b: {  	s15 =	sadd.s32 $0x8, s15;
	[tilespmem:s13+$0x30] =	vst v4;
	s14 =	sadd.s32 $0xFFFFFF80, s14;
	s13 =	sadd.s32 $0x80, s13  }
0x15c: {  	v4 =	vld [tilespmem:s17+$0xFFFFFFC0];
	p0 =	slt.u32 s15, $0xF8;
	_ =	sdelay $0x2  }
0x15d: {  	s18 =	sadd.s32 $0x70, s14  }
0x15e: {  	v5 =	vadd.s32 s18, v1  }
0x15f: {  	vm1 =	vge.s32 v5, v3;
	vm0 =	veq.s32 v4, v2  }
0x160: {  	vm2 =	vgt.s32 v4, v2;
	vm0 =	vmand vm1, vm0  }
0x161: {  	vm0 =	vmor vm2, vm0  }
0x162: {  	v4 =	vsel vm0, $0x1, v0  }
0x163: {  	[tilespmem:s16+$0xFFFFFFC0] =	vst v4  }
0x164: {  	v4 =	vld [tilespmem:s17+$0xFFFFFFC0];
	_ =	sdelay $0x4  }
0x165: {  	v4 =	vnsel vm0, $0x0, v4  }
0x166: {  	[tilespmem:s13+$0xFFFFFFC0] =	vst v4  }
0x167: {  	v4 =	vld [tilespmem:s17+$0xFFFFFFD0];
	_ =	sdelay $0x2  }
0x168: {  	s18 =	sadd.s32 $0x60, s14  }
0x169: {  	v5 =	vadd.s32 s18, v1  }
0x16a: {  	vm1 =	vge.s32 v5, v3;
	vm0 =	veq.s32 v4, v2  }
0x16b: {  	vm2 =	vgt.s32 v4, v2;
	vm0 =	vmand vm1, vm0  }
0x16c: {  	vm0 =	vmor vm2, vm0  }
0x16d: {  	v4 =	vsel vm0, $0x1, v0  }
0x16e: {  	[tilespmem:s16+$0xFFFFFFD0] =	vst v4  }
0x16f: {  	v4 =	vld [tilespmem:s17+$0xFFFFFFD0];
	_ =	sdelay $0x4  }
0x170: {  	v4 =	vnsel vm0, $0x0, v4  }
0x171: {  	[tilespmem:s13+$0xFFFFFFD0] =	vst v4  }
0x172: {  	v4 =	vld [tilespmem:s17+$0xFFFFFFE0];
	_ =	sdelay $0x2  }
0x173: {  	s18 =	sadd.s32 $0x50, s14  }
0x174: {  	v5 =	vadd.s32 s18, v1  }
0x175: {  	vm1 =	vge.s32 v5, v3;
	vm0 =	veq.s32 v4, v2  }
0x176: {  	vm2 =	vgt.s32 v4, v2;
	vm0 =	vmand vm1, vm0  }
0x177: {  	vm0 =	vmor vm2, vm0  }
0x178: {  	v4 =	vsel vm0, $0x1, v0  }
0x179: {  	[tilespmem:s16+$0xFFFFFFE0] =	vst v4  }
0x17a: {  	v4 =	vld [tilespmem:s17+$0xFFFFFFE0];
	_ =	sdelay $0x4  }
0x17b: {  	v4 =	vnsel vm0, $0x0, v4  }
0x17c: {  	[tilespmem:s13+$0xFFFFFFE0] =	vst v4  }
0x17d: {  	v4 =	vld [tilespmem:s17+$0xFFFFFFF0];
	_ =	sdelay $0x2  }
0x17e: {  	s18 =	sadd.s32 $0x40, s14  }
0x17f: {  	v5 =	vadd.s32 s18, v1  }
0x180: {  	vm1 =	vge.s32 v5, v3;
	vm0 =	veq.s32 v4, v2  }
0x181: {  	vm2 =	vgt.s32 v4, v2;
	vm0 =	vmand vm1, vm0  }
0x182: {  	vm0 =	vmor vm2, vm0  }
0x183: {  	v4 =	vsel vm0, $0x1, v0  }
0x184: {  	[tilespmem:s16+$0xFFFFFFF0] =	vst v4  }
0x185: {  	v4 =	vld [tilespmem:s17+$0xFFFFFFF0];
	_ =	sdelay $0x4  }
0x186: {  	v4 =	vnsel vm0, $0x0, v4  }
0x187: {  	[tilespmem:s13+$0xFFFFFFF0] =	vst v4  }
0x188: {  	v4 =	vld [tilespmem:s17+$0x0];
	_ =	sdelay $0x2  }
0x189: {  	s18 =	sadd.s32 $0x30, s14  }
0x18a: {  	v5 =	vadd.s32 s18, v1  }
0x18b: {  	vm1 =	vge.s32 v5, v3;
	vm0 =	veq.s32 v4, v2  }
0x18c: {  	vm2 =	vgt.s32 v4, v2;
	vm0 =	vmand vm1, vm0  }
0x18d: {  	vm0 =	vmor vm2, vm0  }
0x18e: {  	v4 =	vsel vm0, $0x1, v0  }
0x18f: {  	[tilespmem:s16+$0x0] =	vst v4  }
0x190: {  	v4 =	vld [tilespmem:s17+$0x0];
	_ =	sdelay $0x4  }
0x191: {  	v4 =	vnsel vm0, $0x0, v4  }
0x192: {  	[tilespmem:s13+$0x0] =	vst v4  }
0x193: {  	v4 =	vld [tilespmem:s17+$0x10];
	_ =	sdelay $0x2  }
0x194: {  	s18 =	sadd.s32 $0x20, s14  }
0x195: {  	v5 =	vadd.s32 s18, v1  }
0x196: {  	vm1 =	vge.s32 v5, v3;
	vm0 =	veq.s32 v4, v2  }
0x197: {  	vm2 =	vgt.s32 v4, v2;
	vm0 =	vmand vm1, vm0  }
0x198: {  	vm0 =	vmor vm2, vm0  }
0x199: {  	v4 =	vsel vm0, $0x1, v0  }
0x19a: {  	[tilespmem:s16+$0x10] =	vst v4  }
0x19b: {  	v4 =	vld [tilespmem:s17+$0x10];
	_ =	sdelay $0x4  }
0x19c: {  	v4 =	vnsel vm0, $0x0, v4  }
0x19d: {  	[tilespmem:s13+$0x10] =	vst v4  }
0x19e: {  	v4 =	vld [tilespmem:s17+$0x20];
	_ =	sdelay $0x2  }
0x19f: {  	s18 =	sadd.s32 $0x10, s14  }
0x1a0: {  	v5 =	vadd.s32 s18, v1  }
0x1a1: {  	vm1 =	vge.s32 v5, v3;
	vm0 =	veq.s32 v4, v2  }
0x1a2: {  	vm2 =	vgt.s32 v4, v2;
	vm0 =	vmand vm1, vm0  }
0x1a3: {  	vm0 =	vmor vm2, vm0  }
0x1a4: {  	v4 =	vsel vm0, $0x1, v0  }
0x1a5: {  	[tilespmem:s16+$0x20] =	vst v4  }
0x1a6: {  	v4 =	vld [tilespmem:s17+$0x20];
	_ =	sdelay $0x4  }
0x1a7: {  	v4 =	vnsel vm0, $0x0, v4  }
0x1a8: {  	[tilespmem:s13+$0x20] =	vst v4  }
0x1a9: {  	v4 =	vld [tilespmem:s17+$0x30];
	_ =	sdelay $0x3  }
0x1aa: {  	v5 =	vadd.s32 s14, v1  }
0x1ab: {  	vm1 =	vge.s32 v5, v3;
	vm0 =	veq.s32 v4, v2  }
0x1ac: {  	vm2 =	vgt.s32 v4, v2;
	vm0 =	vmand vm1, vm0  }
0x1ad: {  	vm0 =	vmor vm2, vm0  }
0x1ae: {  	v4 =	vsel vm0, $0x1, v0  }
0x1af: {  	[tilespmem:s16+$0x30] =	vst v4  }
0x1b0: {  	v4 =	vld [tilespmem:s17+$0x30]  }
.Ltmp7:
0x1b1: {  	(pc) =	sbr.rel @p0 .LBB2_13-.Ltmp7, $2  }
0x1b2: {  	_ =	sdelay $0x2  }
0x1b3: {  	s16 =	sadd.s32 $0x80, s16;
	s17 =	sadd.s32 $0x80, s17;
	v4 =	vnsel vm0, $0x0, v4  }
0x1b4: {  	[tilespmem:s13+$0x30] =	vst v4  }
0x1b5: {  	[hbm4b:s3+s2] =	stream.linear.scatter [tilespmem:s9], [sflag:$0x1], $0x1000, $0x38;
	[tilespmem:$0x3000] =	vst v63  }
0x1b6: {  	s12 =	sadd.s32 $0x1, s12;
	_ =	swait.ge [sflag:s7], $0x1000  }
0x1b7: {  	p0 =	sne.s32 s12, s6;
	[sflag:s7] =	ssyncset.done $0x0  }
.Ltmp8:
0x1b8: {  	[sflag:s7] =	ssyncadd.s32 $0xFFFFF000;
	(pc) =	sbr.rel @p0 .LBB2_2-.Ltmp8, $4  }
0x1b9: {  	[hbm4b:s4+s2] =	stream.linear.scatter [tilespmem:s10], [sflag:$0x1], $0x1000, $0x38;
	[tilespmem:$0x3000] =	vst v63  }
0x1ba: {  	_ =	swait.ge [sflag:s7], $0x1000  }
0x1bb: {  	[sflag:s7] =	ssyncset.done $0x0  }
0x1bc: {  	[sflag:s7] =	ssyncadd.s32 $0xFFFFF000  }
.LBB2_15:
0x1bd: {  	_ =	sfence.sel $0x180000  }
0x1be: {  	[bflag:$0x0] =	sbarrier.arrive $0xFFFF  }
0x1bf: {  	p0 =	sne.s32 s1, $0x0;
	_ =	strace $0x90000047  }
0x1c0: {  	s0 =	sadd.s32 @!p0 $0x100000, s0;
	[bflag:$0x2] =	sbarrier.arrive $0xFFFF  }
0x1c1: {  	[sflag:s0] =	ssyncadd.tile.s32 @!p0 $0x1;
	_ =	shalt  }
.Lfunc_end2:
_tile_overlayer_lowered:
.L_overlay_start_2:
0x1c2: {  	(tag) =	ssettag $0x2  }
0x1c3: {  	s0 =	rddreg [dreg:$0x0];
	s2 =	stileid.u32  }
0x1c4: {  	s1 =	rddreg [dreg:$0x1];
	p0 =	sne.s32 s2, $0x0  }
0x1c5: {  	s3 =	rddreg [dreg:$0x2];
	[bflag:$0x3] =	sbarrier.arrive $0xFFFF;
	s2 =	simm.s32 @!p0 $0x1C01  }
0x1c6: {  	[timem:s3], [sflag:s2] =	dma.local @!p0 [hbm:s0], s1  }
0x1c7: {  	s0 =	simm.s32 @!p0 $0x1  }
0x1c8: {  	_ =	swait.ge @!p0 [sflag:s0], s1  }
0x1c9: {  	s1 =	ssub.s32 @!p0 $0x0, s1;
	[sflag:s0] =	ssyncset.done @!p0 $0x0  }
0x1ca: {  	[sflag:s0] =	ssyncadd.s32 @!p0 s1  }
0x1cb: {  	[bflag:$0x3] =	sbarrier.arrive $0xFFFF  }
0x1cc: {  	_ =	shalt  }

</sc_bundles>
